<compile_context>
chip_gen: v7x
topology: tpu7x:2x2x1
jax: 0.10.2.dev20260603
libtpu: 0.0.44.dev20260713+nightly
codegen_flags: <defaults>
</compile_context>

<pallas_src>
import functools

import jax
import jax.numpy as jnp
from jax import lax
from jax.experimental import pallas as pl
from jax.experimental.pallas import tpu as pltpu
from jax.experimental.pallas import tpu_sc as plsc

_K = 512
_G = 32
_BR = 640
_C = 81


def _sc_stage(cls_hbm, tgt_hbm, lp_hbm, lt_hbm, s_out, lt_out, ll_out,
              cls_v, tgt_v, lpv, ltv, s_v, t_v, l_v):
    wid = lax.axis_index("s") * 2 + lax.axis_index("c")
    base = wid * _BR

    @pl.when(wid < _G - 1)
    def _():
        pltpu.sync_copy(cls_hbm.at[pl.ds(base * _C, _BR * _C)],
                        cls_v.at[pl.ds(0, _BR * _C)])
        pltpu.sync_copy(tgt_hbm.at[pl.ds(base, _BR)], tgt_v.at[pl.ds(0, _BR)])
        pltpu.sync_copy(lp_hbm.at[pl.ds(base * 4, _BR * 4)], lpv.at[pl.ds(0, _BR * 4)])
        pltpu.sync_copy(lt_hbm.at[pl.ds(base * 4, _BR * 4)], ltv.at[pl.ds(0, _BR * 4)])

    @pl.when(wid == _G - 1)
    def _():
        pltpu.sync_copy(cls_hbm.at[pl.ds(base * _C, 160 * _C)],
                        cls_v.at[pl.ds(0, 160 * _C)])
        pltpu.sync_copy(tgt_hbm.at[pl.ds(base, 160)], tgt_v.at[pl.ds(0, 160)])
        pltpu.sync_copy(lp_hbm.at[pl.ds(base * 4, 640)], lpv.at[pl.ds(0, 640)])
        pltpu.sync_copy(lt_hbm.at[pl.ds(base * 4, 640)], ltv.at[pl.ds(0, 640)])

    ones16 = jnp.ones((16,), jnp.float32)
    zeros16 = jnp.zeros((16,), jnp.float32)
    for g in range(_BR // 16):
        s_v[pl.ds(g * 16, 16)] = ones16
        t_v[pl.ds(g * 16, 16)] = zeros16
        l_v[pl.ds(g * 16, 16)] = zeros16

    ngroups = jnp.where(wid == _G - 1, 10, _BR // 16)
    lanes = lax.iota(jnp.int32, 16)
    bfly = [jnp.bitwise_xor(lanes, k) for k in (8, 4, 2, 1)]

    def hsum(x):
        for idx in bfly:
            x = x + jnp.take(x, idx)
        return x[0]
    tailmask = lanes < 1
    locmask = lanes < 4

    def body(g, carry):
        gb = g * 16
        tgt16 = tgt_v[pl.ds(gb, 16)]
        sv = jnp.zeros((16,), jnp.float32)
        tv = jnp.zeros((16,), jnp.float32)
        lv = jnp.zeros((16,), jnp.float32)
        for j in range(16):
            off = (gb + j) * _C
            acc = jnp.exp(cls_v[pl.ds(off, 16)])
            acc = acc + jnp.exp(cls_v[pl.ds(off + 16, 16)])
            acc = acc + jnp.exp(cls_v[pl.ds(off + 32, 16)])
            acc = acc + jnp.exp(cls_v[pl.ds(off + 48, 16)])
            acc = acc + jnp.exp(cls_v[pl.ds(off + 64, 16)])
            tail = jnp.where(tailmask, cls_v[pl.ds(off + 80, 16)], -88.0)
            acc = acc + jnp.exp(tail)
            s_j = hsum(acc)
            tg_j = tgt16[j]
            tgc_j = jnp.clip(tg_j, 0, _C - 1)
            lt_j = jnp.where(tg_j != -1, cls_v[pl.ds(off + tgc_j, 16)][0], 0.0)
            dv = jnp.abs(lpv[pl.ds((gb + j) * 4, 16)]
                         - ltv[pl.ds((gb + j) * 4, 16)])
            sl1 = jnp.where(dv < 1.0, 0.5 * dv * dv, dv - 0.5)
            ll_j = hsum(jnp.where(locmask, sl1, 0.0))
            sel_j = lanes == j
            sv = jnp.where(sel_j, s_j, sv)
            tv = jnp.where(sel_j, lt_j, tv)
            lv = jnp.where(sel_j, ll_j, lv)
        s_v[pl.ds(gb, 16)] = sv
        t_v[pl.ds(gb, 16)] = tv
        l_v[pl.ds(gb, 16)] = lv
        return carry

    @functools.partial(plsc.parallel_loop, 0, ngroups, unroll=2)
    def _loop(g):
        body(g, 0)

    pltpu.sync_copy(s_v, s_out.at[wid])
    pltpu.sync_copy(t_v, lt_out.at[wid])
    pltpu.sync_copy(l_v, ll_out.at[wid])


def _tc_select(s_ref, lt_ref, ll_ref, sc_ref, sl_ref):
    g, br = s_ref.shape
    ce = jnp.log(s_ref[...]) - lt_ref[...]
    llv = ll_ref[...]
    loss = ce + llv
    bits = jax.lax.bitcast_convert_type(loss, jnp.int32)

    def count_ge(cand):
        return jnp.sum((bits >= cand).astype(jnp.int32))

    v = jnp.int32(0)
    for b in range(29, 0, -2):
        b1 = jnp.int32(1 << (b + 1))
        b0 = jnp.int32(1 << b)
        n1 = count_ge(v | b1)
        n2 = count_ge(v | b0)
        n3 = count_ge(v | b1 | b0)
        v = jnp.where(n1 >= _K,
                      jnp.where(n3 >= _K, v | b1 | b0, v | b1),
                      jnp.where(n2 >= _K, v | b0, v))
    c0 = v | jnp.int32(1)
    v = jnp.where(count_ge(c0) >= _K, c0, v)
    n_gt = jnp.sum((bits > v).astype(jnp.int32))
    need = _K - n_gt
    eq = bits == v
    iv = (jax.lax.broadcasted_iota(jnp.int32, (g, br), 0) * br
          + jax.lax.broadcasted_iota(jnp.int32, (g, br), 1))

    def cnt_lt(x):
        return jnp.sum((eq & (iv < x)).astype(jnp.int32))

    jm = jnp.int32(0)
    for b in range(13, 0, -2):
        b1 = jnp.int32(1 << (b + 1))
        b0 = jnp.int32(1 << b)
        f1 = cnt_lt(jm | b1)
        f2 = cnt_lt(jm | b0)
        f3 = cnt_lt(jm | b1 | b0)
        jm = jnp.where(f1 < need,
                       jnp.where(f3 < need, jm | b1 | b0, jm | b1),
                       jnp.where(f2 < need, jm | b0, jm))
    j0 = jm | jnp.int32(1)
    jm = jnp.where(cnt_lt(j0) < need, j0, jm)
    sel = ((bits > v) | (eq & (iv <= jm))).astype(jnp.float32)
    sc_ref[...] = jnp.sum(ce * sel, keepdims=True)
    sl_ref[...] = jnp.sum(llv * sel, keepdims=True)


def kernel(batch_size, cls_pred, cls_target, loc_pred, loc_target):
    r, _ = cls_pred.shape
    clsf = cls_pred.reshape(r * _C)
    tgt = cls_target.astype(jnp.int32)
    lpf = loc_pred.reshape(r * 4)
    ltf = loc_target.reshape(r * 4)
    mesh = plsc.VectorSubcoreMesh(core_axis_name="c", subcore_axis_name="s")
    sc_fn = functools.partial(
        pl.kernel,
        mesh=mesh,
        out_type=[jax.ShapeDtypeStruct((_G, _BR), jnp.float32)] * 3,
        scratch_types=[
            pltpu.VMEM((_BR * _C + 16,), jnp.float32),
            pltpu.VMEM((_BR + 16,), jnp.int32),
            pltpu.VMEM((_BR * 4 + 16,), jnp.float32),
            pltpu.VMEM((_BR * 4 + 16,), jnp.float32),
            pltpu.VMEM((_BR,), jnp.float32),
            pltpu.VMEM((_BR,), jnp.float32),
            pltpu.VMEM((_BR,), jnp.float32),
        ],
    )(_sc_stage)
    s_a, lt_a, ll_a = sc_fn(clsf, tgt, lpf, ltf)
    sc, sl = pl.pallas_call(
        _tc_select,
        out_specs=[pl.BlockSpec((1, 1), lambda: (0, 0))] * 2,
        out_shape=[jax.ShapeDtypeStruct((1, 1), jnp.float32)] * 2,
    )(s_a, lt_a, ll_a)
    bs = jnp.asarray(batch_size, jnp.float32)
    return (sc[0, 0] / bs, sl[0, 0] / bs)

# --- scband reference (transcript-rebuilt; emitter-appended) ---
"""Pipeline reference for scband-ohem-loss-13743895347802 (READ-ONLY COPY).

The authoritative reference and input builder live on the scoring server;
editing this copy changes nothing except your own understanding.
"""

import jax, jax.numpy as jnp
import numpy as np

R = 20000
C = 81

def setup_inputs(seed: int = 0) -> dict:
    key = jax.random.key(seed)
    k1, k2, k3, k4 = jax.random.split(key, 4)
    return {
        "batch_size": 512,
        "cls_pred": jax.random.normal(k1, (R, C), dtype=jnp.float32),
        "cls_target": jax.random.randint(k2, (R,), 0, C, dtype=jnp.int64),
        "loc_pred": jax.random.normal(k3, (R, 4), dtype=jnp.float32),
        "loc_target": jax.random.normal(k4, (R, 4), dtype=jnp.float32),
    }

def _cross_entropy_no_reduce(logits, targets, ignore_index=-1):
    logp = jax.nn.log_softmax(logits, axis=-1)
    idx = jnp.clip(targets, 0, logits.shape[-1] - 1)
    ce = -jnp.take_along_axis(logp, idx[:, None], axis=1)[:, 0]
    valid = (targets != ignore_index)
    return jnp.where(valid, ce, 0.0)

def _smooth_l1_no_reduce(pred, target):
    # torch nn.SmoothL1Loss with beta=1.0
    diff = jnp.abs(pred - target)
    return jnp.where(diff < 1.0, 0.5 * diff * diff, diff - 0.5)

def reference(batch_size, cls_pred, cls_target, loc_pred, loc_target):
    ohem_cls_loss = _cross_entropy_no_reduce(cls_pred, cls_target, ignore_index=-1)
    ohem_loc_loss = _smooth_l1_no_reduce(loc_pred, loc_target).sum(axis=1)
    loss = ohem_cls_loss + ohem_loc_loss
    keep_num = min(loss.shape[0], 512)
    # torch.sort(descending=True) then take first keep_num == top_k
    _, keep_idx = jax.lax.top_k(loss, keep_num)
    if keep_num < loss.shape[0]:
        ohem_cls_loss = ohem_cls_loss[keep_idx]
        ohem_loc_loss = ohem_loc_loss[keep_idx]
    cls_loss = ohem_cls_loss.sum() / batch_size
    loc_loss = ohem_loc_loss.sum() / batch_size
    return (cls_loss, loc_loss)

if __name__ == "__main__":
    import jax
    _d = setup_inputs()
    print(jax.jit(kernel)(*tuple(_d.values())))

</pallas_src>

<mosaic_0001>
#map = affine_map<(d0, d1) -> (0)>
#map1 = affine_map<(d0, d1) -> (0, 0)>
module attributes {stable_mosaic.version = 14 : i64} {
  func.func @_sc_stage(%arg0: i32, %arg1: i32, %arg2: memref<1620000xf32, #tpu.memory_space<hbm>>, %arg3: memref<20000xi32, #tpu.memory_space<hbm>>, %arg4: memref<80000xf32, #tpu.memory_space<hbm>>, %arg5: memref<80000xf32, #tpu.memory_space<hbm>>, %arg6: memref<32x640xf32, #tpu.memory_space<hbm>>, %arg7: memref<32x640xf32, #tpu.memory_space<hbm>>, %arg8: memref<32x640xf32, #tpu.memory_space<hbm>>, %arg9: memref<51856xf32, #tpu.memory_space<vmem>>, %arg10: memref<656xi32, #tpu.memory_space<vmem>>, %arg11: memref<2576xf32, #tpu.memory_space<vmem>>, %arg12: memref<2576xf32, #tpu.memory_space<vmem>>, %arg13: memref<640xf32, #tpu.memory_space<vmem>>, %arg14: memref<640xf32, #tpu.memory_space<vmem>>, %arg15: memref<640xf32, #tpu.memory_space<vmem>>) attributes {dimension_semantics = [#tpu.dimension_semantics<core_parallel>, #tpu.dimension_semantics<subcore_parallel>], iteration_bounds = array<i64: 2, 16>, scalar_prefetch = 0 : i64, scratch_operands = 7 : i64, tpu.core_type = #tpu.core_type<sc_vector_subcore>, window_params = [{transform_indices = #map}, {transform_indices = #map}, {transform_indices = #map}, {transform_indices = #map}, {transform_indices = #map1}, {transform_indices = #map1}, {transform_indices = #map1}]} {
    %mul3A = arith.constant 2 : i32
    %mul3A_0 = arith.muli %arg1, %mul3A : i32
    %add3A = arith.addi %mul3A_0, %arg0 : i32
    %mul3A_1 = arith.constant 640 : i32
    %mul3A_2 = arith.muli %add3A, %mul3A_1 : i32
    %lt3A = arith.constant 31 : i32
    %lt3A_3 = arith.cmpi slt, %add3A, %lt3A : i32
    %convert_element_type3A = arith.extui %lt3A_3 : i1 to i32
    %cond3A = arith.constant 0 : i32
    %cond3A_4 = arith.cmpi ne, %convert_element_type3A, %cond3A : i32
    scf.if %cond3A_4 {
      %mul3A_511 = arith.constant 81 : i32
      %mul3A_512 = arith.muli %mul3A_2, %mul3A_511 : i32
      "tpu.region"() ({
        %run_scoped3A = tpu.sem_alloc : memref<!tpu.dma_semaphore, #tpu.memory_space<semaphore_mem>>
        %dma_start3A = arith.constant 0 : i32
        %dma_start3A_517 = tpu.memref_slice %arg9[%dma_start3A] : memref<51856xf32, #tpu.memory_space<vmem>> -> memref<51840xf32, #tpu.memory_space<vmem>>
        %dma_start3A_518 = tpu.memref_slice %arg2[%mul3A_512] : memref<1620000xf32, #tpu.memory_space<hbm>> -> memref<51840xf32, #tpu.memory_space<hbm>>
        %dma_start3A_519 = arith.constant 0 : i32
        %dma_start3A_520 = tpu.memref_slice %arg9[%dma_start3A_519] : memref<51856xf32, #tpu.memory_space<vmem>> -> memref<51840xf32, #tpu.memory_space<vmem>>
        %dma_start3A_521 = tpu.memref_slice %arg2[%mul3A_512] : memref<1620000xf32, #tpu.memory_space<hbm>> -> memref<51840xf32, #tpu.memory_space<hbm>>
        tpu.enqueue_dma source(%dma_start3A_521 : memref<51840xf32, #tpu.memory_space<hbm>>) target(%dma_start3A_520 : memref<51840xf32, #tpu.memory_space<vmem>>) target_semaphore(%run_scoped3A : memref<!tpu.dma_semaphore, #tpu.memory_space<semaphore_mem>>)
        %dma_wait3A = arith.constant 0 : i32
        %dma_wait3A_522 = tpu.memref_slice %arg9[%dma_wait3A] : memref<51856xf32, #tpu.memory_space<vmem>> -> memref<51840xf32, #tpu.memory_space<vmem>>
        %dma_wait3A_523 = tpu.memref_slice %arg2[%mul3A_512] : memref<1620000xf32, #tpu.memory_space<hbm>> -> memref<51840xf32, #tpu.memory_space<hbm>>
        %dma_wait3A_524 = arith.constant 0 : i32
        %dma_wait3A_525 = tpu.memref_slice %arg9[%dma_wait3A_524] : memref<51856xf32, #tpu.memory_space<vmem>> -> memref<51840xf32, #tpu.memory_space<vmem>>
        %dma_wait3A_526 = tpu.memref_slice %arg2[%mul3A_512] : memref<1620000xf32, #tpu.memory_space<hbm>> -> memref<51840xf32, #tpu.memory_space<hbm>>
        tpu.wait_dma2 semaphore(%run_scoped3A : memref<!tpu.dma_semaphore, #tpu.memory_space<semaphore_mem>>) src(%dma_wait3A_526 : memref<51840xf32, #tpu.memory_space<hbm>>) dst(%dma_wait3A_525 : memref<51840xf32, #tpu.memory_space<vmem>>)
        tpu.yield
      }) : () -> ()
      "tpu.region"() ({
        %run_scoped3A = tpu.sem_alloc : memref<!tpu.dma_semaphore, #tpu.memory_space<semaphore_mem>>
        %dma_start3A = arith.constant 0 : i32
        %dma_start3A_517 = tpu.memref_slice %arg10[%dma_start3A] : memref<656xi32, #tpu.memory_space<vmem>> -> memref<640xi32, #tpu.memory_space<vmem>>
        %dma_start3A_518 = tpu.memref_slice %arg3[%mul3A_2] : memref<20000xi32, #tpu.memory_space<hbm>> -> memref<640xi32, #tpu.memory_space<hbm>>
        %dma_start3A_519 = arith.constant 0 : i32
        %dma_start3A_520 = tpu.memref_slice %arg10[%dma_start3A_519] : memref<656xi32, #tpu.memory_space<vmem>> -> memref<640xi32, #tpu.memory_space<vmem>>
        %dma_start3A_521 = tpu.memref_slice %arg3[%mul3A_2] : memref<20000xi32, #tpu.memory_space<hbm>> -> memref<640xi32, #tpu.memory_space<hbm>>
        tpu.enqueue_dma source(%dma_start3A_521 : memref<640xi32, #tpu.memory_space<hbm>>) target(%dma_start3A_520 : memref<640xi32, #tpu.memory_space<vmem>>) target_semaphore(%run_scoped3A : memref<!tpu.dma_semaphore, #tpu.memory_space<semaphore_mem>>)
        %dma_wait3A = arith.constant 0 : i32
        %dma_wait3A_522 = tpu.memref_slice %arg10[%dma_wait3A] : memref<656xi32, #tpu.memory_space<vmem>> -> memref<640xi32, #tpu.memory_space<vmem>>
        %dma_wait3A_523 = tpu.memref_slice %arg3[%mul3A_2] : memref<20000xi32, #tpu.memory_space<hbm>> -> memref<640xi32, #tpu.memory_space<hbm>>
        %dma_wait3A_524 = arith.constant 0 : i32
        %dma_wait3A_525 = tpu.memref_slice %arg10[%dma_wait3A_524] : memref<656xi32, #tpu.memory_space<vmem>> -> memref<640xi32, #tpu.memory_space<vmem>>
        %dma_wait3A_526 = tpu.memref_slice %arg3[%mul3A_2] : memref<20000xi32, #tpu.memory_space<hbm>> -> memref<640xi32, #tpu.memory_space<hbm>>
        tpu.wait_dma2 semaphore(%run_scoped3A : memref<!tpu.dma_semaphore, #tpu.memory_space<semaphore_mem>>) src(%dma_wait3A_526 : memref<640xi32, #tpu.memory_space<hbm>>) dst(%dma_wait3A_525 : memref<640xi32, #tpu.memory_space<vmem>>)
        tpu.yield
      }) : () -> ()
      %mul3A_513 = arith.constant 4 : i32
      %mul3A_514 = arith.muli %mul3A_2, %mul3A_513 : i32
      "tpu.region"() ({
        %run_scoped3A = tpu.sem_alloc : memref<!tpu.dma_semaphore, #tpu.memory_space<semaphore_mem>>
        %dma_start3A = arith.constant 0 : i32
        %dma_start3A_517 = tpu.memref_slice %arg11[%dma_start3A] : memref<2576xf32, #tpu.memory_space<vmem>> -> memref<2560xf32, #tpu.memory_space<vmem>>
        %dma_start3A_518 = tpu.memref_slice %arg4[%mul3A_514] : memref<80000xf32, #tpu.memory_space<hbm>> -> memref<2560xf32, #tpu.memory_space<hbm>>
        %dma_start3A_519 = arith.constant 0 : i32
        %dma_start3A_520 = tpu.memref_slice %arg11[%dma_start3A_519] : memref<2576xf32, #tpu.memory_space<vmem>> -> memref<2560xf32, #tpu.memory_space<vmem>>
        %dma_start3A_521 = tpu.memref_slice %arg4[%mul3A_514] : memref<80000xf32, #tpu.memory_space<hbm>> -> memref<2560xf32, #tpu.memory_space<hbm>>
        tpu.enqueue_dma source(%dma_start3A_521 : memref<2560xf32, #tpu.memory_space<hbm>>) target(%dma_start3A_520 : memref<2560xf32, #tpu.memory_space<vmem>>) target_semaphore(%run_scoped3A : memref<!tpu.dma_semaphore, #tpu.memory_space<semaphore_mem>>)
        %dma_wait3A = arith.constant 0 : i32
        %dma_wait3A_522 = tpu.memref_slice %arg11[%dma_wait3A] : memref<2576xf32, #tpu.memory_space<vmem>> -> memref<2560xf32, #tpu.memory_space<vmem>>
        %dma_wait3A_523 = tpu.memref_slice %arg4[%mul3A_514] : memref<80000xf32, #tpu.memory_space<hbm>> -> memref<2560xf32, #tpu.memory_space<hbm>>
        %dma_wait3A_524 = arith.constant 0 : i32
        %dma_wait3A_525 = tpu.memref_slice %arg11[%dma_wait3A_524] : memref<2576xf32, #tpu.memory_space<vmem>> -> memref<2560xf32, #tpu.memory_space<vmem>>
        %dma_wait3A_526 = tpu.memref_slice %arg4[%mul3A_514] : memref<80000xf32, #tpu.memory_space<hbm>> -> memref<2560xf32, #tpu.memory_space<hbm>>
        tpu.wait_dma2 semaphore(%run_scoped3A : memref<!tpu.dma_semaphore, #tpu.memory_space<semaphore_mem>>) src(%dma_wait3A_526 : memref<2560xf32, #tpu.memory_space<hbm>>) dst(%dma_wait3A_525 : memref<2560xf32, #tpu.memory_space<vmem>>)
        tpu.yield
      }) : () -> ()
      %mul3A_515 = arith.constant 4 : i32
      %mul3A_516 = arith.muli %mul3A_2, %mul3A_515 : i32
      "tpu.region"() ({
        %run_scoped3A = tpu.sem_alloc : memref<!tpu.dma_semaphore, #tpu.memory_space<semaphore_mem>>
        %dma_start3A = arith.constant 0 : i32
        %dma_start3A_517 = tpu.memref_slice %arg12[%dma_start3A] : memref<2576xf32, #tpu.memory_space<vmem>> -> memref<2560xf32, #tpu.memory_space<vmem>>
        %dma_start3A_518 = tpu.memref_slice %arg5[%mul3A_516] : memref<80000xf32, #tpu.memory_space<hbm>> -> memref<2560xf32, #tpu.memory_space<hbm>>
        %dma_start3A_519 = arith.constant 0 : i32
        %dma_start3A_520 = tpu.memref_slice %arg12[%dma_start3A_519] : memref<2576xf32, #tpu.memory_space<vmem>> -> memref<2560xf32, #tpu.memory_space<vmem>>
        %dma_start3A_521 = tpu.memref_slice %arg5[%mul3A_516] : memref<80000xf32, #tpu.memory_space<hbm>> -> memref<2560xf32, #tpu.memory_space<hbm>>
        tpu.enqueue_dma source(%dma_start3A_521 : memref<2560xf32, #tpu.memory_space<hbm>>) target(%dma_start3A_520 : memref<2560xf32, #tpu.memory_space<vmem>>) target_semaphore(%run_scoped3A : memref<!tpu.dma_semaphore, #tpu.memory_space<semaphore_mem>>)
        %dma_wait3A = arith.constant 0 : i32
        %dma_wait3A_522 = tpu.memref_slice %arg12[%dma_wait3A] : memref<2576xf32, #tpu.memory_space<vmem>> -> memref<2560xf32, #tpu.memory_space<vmem>>
        %dma_wait3A_523 = tpu.memref_slice %arg5[%mul3A_516] : memref<80000xf32, #tpu.memory_space<hbm>> -> memref<2560xf32, #tpu.memory_space<hbm>>
        %dma_wait3A_524 = arith.constant 0 : i32
        %dma_wait3A_525 = tpu.memref_slice %arg12[%dma_wait3A_524] : memref<2576xf32, #tpu.memory_space<vmem>> -> memref<2560xf32, #tpu.memory_space<vmem>>
        %dma_wait3A_526 = tpu.memref_slice %arg5[%mul3A_516] : memref<80000xf32, #tpu.memory_space<hbm>> -> memref<2560xf32, #tpu.memory_space<hbm>>
        tpu.wait_dma2 semaphore(%run_scoped3A : memref<!tpu.dma_semaphore, #tpu.memory_space<semaphore_mem>>) src(%dma_wait3A_526 : memref<2560xf32, #tpu.memory_space<hbm>>) dst(%dma_wait3A_525 : memref<2560xf32, #tpu.memory_space<vmem>>)
        tpu.yield
      }) : () -> ()
    } else {
    }
    %eq3A = arith.constant 31 : i32
    %eq3A_5 = arith.cmpi eq, %add3A, %eq3A : i32
    %convert_element_type3A_6 = arith.extui %eq3A_5 : i1 to i32
    %cond3A_7 = arith.constant 0 : i32
    %cond3A_8 = arith.cmpi ne, %convert_element_type3A_6, %cond3A_7 : i32
    scf.if %cond3A_8 {
      %mul3A_511 = arith.constant 81 : i32
      %mul3A_512 = arith.muli %mul3A_2, %mul3A_511 : i32
      "tpu.region"() ({
        %run_scoped3A = tpu.sem_alloc : memref<!tpu.dma_semaphore, #tpu.memory_space<semaphore_mem>>
        %dma_start3A = arith.constant 0 : i32
        %dma_start3A_517 = tpu.memref_slice %arg9[%dma_start3A] : memref<51856xf32, #tpu.memory_space<vmem>> -> memref<12960xf32, #tpu.memory_space<vmem>>
        %dma_start3A_518 = tpu.memref_slice %arg2[%mul3A_512] : memref<1620000xf32, #tpu.memory_space<hbm>> -> memref<12960xf32, #tpu.memory_space<hbm>>
        %dma_start3A_519 = arith.constant 0 : i32
        %dma_start3A_520 = tpu.memref_slice %arg9[%dma_start3A_519] : memref<51856xf32, #tpu.memory_space<vmem>> -> memref<12960xf32, #tpu.memory_space<vmem>>
        %dma_start3A_521 = tpu.memref_slice %arg2[%mul3A_512] : memref<1620000xf32, #tpu.memory_space<hbm>> -> memref<12960xf32, #tpu.memory_space<hbm>>
        tpu.enqueue_dma source(%dma_start3A_521 : memref<12960xf32, #tpu.memory_space<hbm>>) target(%dma_start3A_520 : memref<12960xf32, #tpu.memory_space<vmem>>) target_semaphore(%run_scoped3A : memref<!tpu.dma_semaphore, #tpu.memory_space<semaphore_mem>>)
        %dma_wait3A = arith.constant 0 : i32
        %dma_wait3A_522 = tpu.memref_slice %arg9[%dma_wait3A] : memref<51856xf32, #tpu.memory_space<vmem>> -> memref<12960xf32, #tpu.memory_space<vmem>>
        %dma_wait3A_523 = tpu.memref_slice %arg2[%mul3A_512] : memref<1620000xf32, #tpu.memory_space<hbm>> -> memref<12960xf32, #tpu.memory_space<hbm>>
        %dma_wait3A_524 = arith.constant 0 : i32
        %dma_wait3A_525 = tpu.memref_slice %arg9[%dma_wait3A_524] : memref<51856xf32, #tpu.memory_space<vmem>> -> memref<12960xf32, #tpu.memory_space<vmem>>
        %dma_wait3A_526 = tpu.memref_slice %arg2[%mul3A_512] : memref<1620000xf32, #tpu.memory_space<hbm>> -> memref<12960xf32, #tpu.memory_space<hbm>>
        tpu.wait_dma2 semaphore(%run_scoped3A : memref<!tpu.dma_semaphore, #tpu.memory_space<semaphore_mem>>) src(%dma_wait3A_526 : memref<12960xf32, #tpu.memory_space<hbm>>) dst(%dma_wait3A_525 : memref<12960xf32, #tpu.memory_space<vmem>>)
        tpu.yield
      }) : () -> ()
      "tpu.region"() ({
        %run_scoped3A = tpu.sem_alloc : memref<!tpu.dma_semaphore, #tpu.memory_space<semaphore_mem>>
        %dma_start3A = arith.constant 0 : i32
        %dma_start3A_517 = tpu.memref_slice %arg10[%dma_start3A] : memref<656xi32, #tpu.memory_space<vmem>> -> memref<160xi32, #tpu.memory_space<vmem>>
        %dma_start3A_518 = tpu.memref_slice %arg3[%mul3A_2] : memref<20000xi32, #tpu.memory_space<hbm>> -> memref<160xi32, #tpu.memory_space<hbm>>
        %dma_start3A_519 = arith.constant 0 : i32
        %dma_start3A_520 = tpu.memref_slice %arg10[%dma_start3A_519] : memref<656xi32, #tpu.memory_space<vmem>> -> memref<160xi32, #tpu.memory_space<vmem>>
        %dma_start3A_521 = tpu.memref_slice %arg3[%mul3A_2] : memref<20000xi32, #tpu.memory_space<hbm>> -> memref<160xi32, #tpu.memory_space<hbm>>
        tpu.enqueue_dma source(%dma_start3A_521 : memref<160xi32, #tpu.memory_space<hbm>>) target(%dma_start3A_520 : memref<160xi32, #tpu.memory_space<vmem>>) target_semaphore(%run_scoped3A : memref<!tpu.dma_semaphore, #tpu.memory_space<semaphore_mem>>)
        %dma_wait3A = arith.constant 0 : i32
        %dma_wait3A_522 = tpu.memref_slice %arg10[%dma_wait3A] : memref<656xi32, #tpu.memory_space<vmem>> -> memref<160xi32, #tpu.memory_space<vmem>>
        %dma_wait3A_523 = tpu.memref_slice %arg3[%mul3A_2] : memref<20000xi32, #tpu.memory_space<hbm>> -> memref<160xi32, #tpu.memory_space<hbm>>
        %dma_wait3A_524 = arith.constant 0 : i32
        %dma_wait3A_525 = tpu.memref_slice %arg10[%dma_wait3A_524] : memref<656xi32, #tpu.memory_space<vmem>> -> memref<160xi32, #tpu.memory_space<vmem>>
        %dma_wait3A_526 = tpu.memref_slice %arg3[%mul3A_2] : memref<20000xi32, #tpu.memory_space<hbm>> -> memref<160xi32, #tpu.memory_space<hbm>>
        tpu.wait_dma2 semaphore(%run_scoped3A : memref<!tpu.dma_semaphore, #tpu.memory_space<semaphore_mem>>) src(%dma_wait3A_526 : memref<160xi32, #tpu.memory_space<hbm>>) dst(%dma_wait3A_525 : memref<160xi32, #tpu.memory_space<vmem>>)
        tpu.yield
      }) : () -> ()
      %mul3A_513 = arith.constant 4 : i32
      %mul3A_514 = arith.muli %mul3A_2, %mul3A_513 : i32
      "tpu.region"() ({
        %run_scoped3A = tpu.sem_alloc : memref<!tpu.dma_semaphore, #tpu.memory_space<semaphore_mem>>
        %dma_start3A = arith.constant 0 : i32
        %dma_start3A_517 = tpu.memref_slice %arg11[%dma_start3A] : memref<2576xf32, #tpu.memory_space<vmem>> -> memref<640xf32, #tpu.memory_space<vmem>>
        %dma_start3A_518 = tpu.memref_slice %arg4[%mul3A_514] : memref<80000xf32, #tpu.memory_space<hbm>> -> memref<640xf32, #tpu.memory_space<hbm>>
        %dma_start3A_519 = arith.constant 0 : i32
        %dma_start3A_520 = tpu.memref_slice %arg11[%dma_start3A_519] : memref<2576xf32, #tpu.memory_space<vmem>> -> memref<640xf32, #tpu.memory_space<vmem>>
        %dma_start3A_521 = tpu.memref_slice %arg4[%mul3A_514] : memref<80000xf32, #tpu.memory_space<hbm>> -> memref<640xf32, #tpu.memory_space<hbm>>
        tpu.enqueue_dma source(%dma_start3A_521 : memref<640xf32, #tpu.memory_space<hbm>>) target(%dma_start3A_520 : memref<640xf32, #tpu.memory_space<vmem>>) target_semaphore(%run_scoped3A : memref<!tpu.dma_semaphore, #tpu.memory_space<semaphore_mem>>)
        %dma_wait3A = arith.constant 0 : i32
        %dma_wait3A_522 = tpu.memref_slice %arg11[%dma_wait3A] : memref<2576xf32, #tpu.memory_space<vmem>> -> memref<640xf32, #tpu.memory_space<vmem>>
        %dma_wait3A_523 = tpu.memref_slice %arg4[%mul3A_514] : memref<80000xf32, #tpu.memory_space<hbm>> -> memref<640xf32, #tpu.memory_space<hbm>>
        %dma_wait3A_524 = arith.constant 0 : i32
        %dma_wait3A_525 = tpu.memref_slice %arg11[%dma_wait3A_524] : memref<2576xf32, #tpu.memory_space<vmem>> -> memref<640xf32, #tpu.memory_space<vmem>>
        %dma_wait3A_526 = tpu.memref_slice %arg4[%mul3A_514] : memref<80000xf32, #tpu.memory_space<hbm>> -> memref<640xf32, #tpu.memory_space<hbm>>
        tpu.wait_dma2 semaphore(%run_scoped3A : memref<!tpu.dma_semaphore, #tpu.memory_space<semaphore_mem>>) src(%dma_wait3A_526 : memref<640xf32, #tpu.memory_space<hbm>>) dst(%dma_wait3A_525 : memref<640xf32, #tpu.memory_space<vmem>>)
        tpu.yield
      }) : () -> ()
      %mul3A_515 = arith.constant 4 : i32
      %mul3A_516 = arith.muli %mul3A_2, %mul3A_515 : i32
      "tpu.region"() ({
        %run_scoped3A = tpu.sem_alloc : memref<!tpu.dma_semaphore, #tpu.memory_space<semaphore_mem>>
        %dma_start3A = arith.constant 0 : i32
        %dma_start3A_517 = tpu.memref_slice %arg12[%dma_start3A] : memref<2576xf32, #tpu.memory_space<vmem>> -> memref<640xf32, #tpu.memory_space<vmem>>
        %dma_start3A_518 = tpu.memref_slice %arg5[%mul3A_516] : memref<80000xf32, #tpu.memory_space<hbm>> -> memref<640xf32, #tpu.memory_space<hbm>>
        %dma_start3A_519 = arith.constant 0 : i32
        %dma_start3A_520 = tpu.memref_slice %arg12[%dma_start3A_519] : memref<2576xf32, #tpu.memory_space<vmem>> -> memref<640xf32, #tpu.memory_space<vmem>>
        %dma_start3A_521 = tpu.memref_slice %arg5[%mul3A_516] : memref<80000xf32, #tpu.memory_space<hbm>> -> memref<640xf32, #tpu.memory_space<hbm>>
        tpu.enqueue_dma source(%dma_start3A_521 : memref<640xf32, #tpu.memory_space<hbm>>) target(%dma_start3A_520 : memref<640xf32, #tpu.memory_space<vmem>>) target_semaphore(%run_scoped3A : memref<!tpu.dma_semaphore, #tpu.memory_space<semaphore_mem>>)
        %dma_wait3A = arith.constant 0 : i32
        %dma_wait3A_522 = tpu.memref_slice %arg12[%dma_wait3A] : memref<2576xf32, #tpu.memory_space<vmem>> -> memref<640xf32, #tpu.memory_space<vmem>>
        %dma_wait3A_523 = tpu.memref_slice %arg5[%mul3A_516] : memref<80000xf32, #tpu.memory_space<hbm>> -> memref<640xf32, #tpu.memory_space<hbm>>
        %dma_wait3A_524 = arith.constant 0 : i32
        %dma_wait3A_525 = tpu.memref_slice %arg12[%dma_wait3A_524] : memref<2576xf32, #tpu.memory_space<vmem>> -> memref<640xf32, #tpu.memory_space<vmem>>
        %dma_wait3A_526 = tpu.memref_slice %arg5[%mul3A_516] : memref<80000xf32, #tpu.memory_space<hbm>> -> memref<640xf32, #tpu.memory_space<hbm>>
        tpu.wait_dma2 semaphore(%run_scoped3A : memref<!tpu.dma_semaphore, #tpu.memory_space<semaphore_mem>>) src(%dma_wait3A_526 : memref<640xf32, #tpu.memory_space<hbm>>) dst(%dma_wait3A_525 : memref<640xf32, #tpu.memory_space<vmem>>)
        tpu.yield
      }) : () -> ()
    } else {
    }
    %broadcast_in_dim3A = arith.constant 1.000000e+00 : f32
    %broadcast_in_dim3A_9 = vector.broadcast %broadcast_in_dim3A : f32 to vector<16xf32>
    %broadcast_in_dim3A_10 = arith.constant 0.000000e+00 : f32
    %broadcast_in_dim3A_11 = vector.broadcast %broadcast_in_dim3A_10 : f32 to vector<16xf32>
    %swap3A = arith.constant 0 : index
    %swap3A_12 = tpu.vector_load %arg13[%swap3A] {strides = array<i32>} : memref<640xf32, #tpu.memory_space<vmem>>, vector<16xf32>,
    %swap3A_13 = vector.shape_cast %swap3A_12 : vector<16xf32> to vector<16xf32>
    %swap3A_14 = vector.shape_cast %broadcast_in_dim3A_9 : vector<16xf32> to vector<16xf32>
    tpu.vector_store %arg13[%swap3A], %swap3A_14 {strides = array<i32>} : memref<640xf32, #tpu.memory_space<vmem>>, vector<16xf32>,
    %swap3A_15 = arith.constant 0 : index
    %swap3A_16 = tpu.vector_load %arg14[%swap3A_15] {strides = array<i32>} : memref<640xf32, #tpu.memory_space<vmem>>, vector<16xf32>,
    %swap3A_17 = vector.shape_cast %swap3A_16 : vector<16xf32> to vector<16xf32>
    %swap3A_18 = vector.shape_cast %broadcast_in_dim3A_11 : vector<16xf32> to vector<16xf32>
    tpu.vector_store %arg14[%swap3A_15], %swap3A_18 {strides = array<i32>} : memref<640xf32, #tpu.memory_space<vmem>>, vector<16xf32>,
    %swap3A_19 = arith.constant 0 : index
    %swap3A_20 = tpu.vector_load %arg15[%swap3A_19] {strides = array<i32>} : memref<640xf32, #tpu.memory_space<vmem>>, vector<16xf32>,
    %swap3A_21 = vector.shape_cast %swap3A_20 : vector<16xf32> to vector<16xf32>
    %swap3A_22 = vector.shape_cast %broadcast_in_dim3A_11 : vector<16xf32> to vector<16xf32>
    tpu.vector_store %arg15[%swap3A_19], %swap3A_22 {strides = array<i32>} : memref<640xf32, #tpu.memory_space<vmem>>, vector<16xf32>,
    %swap3A_23 = arith.constant 16 : index
    %swap3A_24 = tpu.vector_load %arg13[%swap3A_23] {strides = array<i32>} : memref<640xf32, #tpu.memory_space<vmem>>, vector<16xf32>,
    %swap3A_25 = vector.shape_cast %swap3A_24 : vector<16xf32> to vector<16xf32>
    %swap3A_26 = vector.shape_cast %broadcast_in_dim3A_9 : vector<16xf32> to vector<16xf32>
    tpu.vector_store %arg13[%swap3A_23], %swap3A_26 {strides = array<i32>} : memref<640xf32, #tpu.memory_space<vmem>>, vector<16xf32>,
    %swap3A_27 = arith.constant 16 : index
    %swap3A_28 = tpu.vector_load %arg14[%swap3A_27] {strides = array<i32>} : memref<640xf32, #tpu.memory_space<vmem>>, vector<16xf32>,
    %swap3A_29 = vector.shape_cast %swap3A_28 : vector<16xf32> to vector<16xf32>
    %swap3A_30 = vector.shape_cast %broadcast_in_dim3A_11 : vector<16xf32> to vector<16xf32>
    tpu.vector_store %arg14[%swap3A_27], %swap3A_30 {strides = array<i32>} : memref<640xf32, #tpu.memory_space<vmem>>, vector<16xf32>,
    %swap3A_31 = arith.constant 16 : index
    %swap3A_32 = tpu.vector_load %arg15[%swap3A_31] {strides = array<i32>} : memref<640xf32, #tpu.memory_space<vmem>>, vector<16xf32>,
    %swap3A_33 = vector.shape_cast %swap3A_32 : vector<16xf32> to vector<16xf32>
    %swap3A_34 = vector.shape_cast %broadcast_in_dim3A_11 : vector<16xf32> to vector<16xf32>
    tpu.vector_store %arg15[%swap3A_31], %swap3A_34 {strides = array<i32>} : memref<640xf32, #tpu.memory_space<vmem>>, vector<16xf32>,
    %swap3A_35 = arith.constant 32 : index
    %swap3A_36 = tpu.vector_load %arg13[%swap3A_35] {strides = array<i32>} : memref<640xf32, #tpu.memory_space<vmem>>, vector<16xf32>,
    %swap3A_37 = vector.shape_cast %swap3A_36 : vector<16xf32> to vector<16xf32>
    %swap3A_38 = vector.shape_cast %broadcast_in_dim3A_9 : vector<16xf32> to vector<16xf32>
    tpu.vector_store %arg13[%swap3A_35], %swap3A_38 {strides = array<i32>} : memref<640xf32, #tpu.memory_space<vmem>>, vector<16xf32>,
    %swap3A_39 = arith.constant 32 : index
    %swap3A_40 = tpu.vector_load %arg14[%swap3A_39] {strides = array<i32>} : memref<640xf32, #tpu.memory_space<vmem>>, vector<16xf32>,
    %swap3A_41 = vector.shape_cast %swap3A_40 : vector<16xf32> to vector<16xf32>
    %swap3A_42 = vector.shape_cast %broadcast_in_dim3A_11 : vector<16xf32> to vector<16xf32>
    tpu.vector_store %arg14[%swap3A_39], %swap3A_42 {strides = array<i32>} : memref<640xf32, #tpu.memory_space<vmem>>, vector<16xf32>,
    %swap3A_43 = arith.constant 32 : index
    %swap3A_44 = tpu.vector_load %arg15[%swap3A_43] {strides = array<i32>} : memref<640xf32, #tpu.memory_space<vmem>>, vector<16xf32>,
    %swap3A_45 = vector.shape_cast %swap3A_44 : vector<16xf32> to vector<16xf32>
    %swap3A_46 = vector.shape_cast %broadcast_in_dim3A_11 : vector<16xf32> to vector<16xf32>
    tpu.vector_store %arg15[%swap3A_43], %swap3A_46 {strides = array<i32>} : memref<640xf32, #tpu.memory_space<vmem>>, vector<16xf32>,
    %swap3A_47 = arith.constant 48 : index
    %swap3A_48 = tpu.vector_load %arg13[%swap3A_47] {strides = array<i32>} : memref<640xf32, #tpu.memory_space<vmem>>, vector<16xf32>,
    %swap3A_49 = vector.shape_cast %swap3A_48 : vector<16xf32> to vector<16xf32>
    %swap3A_50 = vector.shape_cast %broadcast_in_dim3A_9 : vector<16xf32> to vector<16xf32>
    tpu.vector_store %arg13[%swap3A_47], %swap3A_50 {strides = array<i32>} : memref<640xf32, #tpu.memory_space<vmem>>, vector<16xf32>,
    %swap3A_51 = arith.constant 48 : index
    %swap3A_52 = tpu.vector_load %arg14[%swap3A_51] {strides = array<i32>} : memref<640xf32, #tpu.memory_space<vmem>>, vector<16xf32>,
    %swap3A_53 = vector.shape_cast %swap3A_52 : vector<16xf32> to vector<16xf32>
    %swap3A_54 = vector.shape_cast %broadcast_in_dim3A_11 : vector<16xf32> to vector<16xf32>
    tpu.vector_store %arg14[%swap3A_51], %swap3A_54 {strides = array<i32>} : memref<640xf32, #tpu.memory_space<vmem>>, vector<16xf32>,
    %swap3A_55 = arith.constant 48 : index
    %swap3A_56 = tpu.vector_load %arg15[%swap3A_55] {strides = array<i32>} : memref<640xf32, #tpu.memory_space<vmem>>, vector<16xf32>,
    %swap3A_57 = vector.shape_cast %swap3A_56 : vector<16xf32> to vector<16xf32>
    %swap3A_58 = vector.shape_cast %broadcast_in_dim3A_11 : vector<16xf32> to vector<16xf32>
    tpu.vector_store %arg15[%swap3A_55], %swap3A_58 {strides = array<i32>} : memref<640xf32, #tpu.memory_space<vmem>>, vector<16xf32>,
    %swap3A_59 = arith.constant 64 : index
    %swap3A_60 = tpu.vector_load %arg13[%swap3A_59] {strides = array<i32>} : memref<640xf32, #tpu.memory_space<vmem>>, vector<16xf32>,
    %swap3A_61 = vector.shape_cast %swap3A_60 : vector<16xf32> to vector<16xf32>
    %swap3A_62 = vector.shape_cast %broadcast_in_dim3A_9 : vector<16xf32> to vector<16xf32>
    tpu.vector_store %arg13[%swap3A_59], %swap3A_62 {strides = array<i32>} : memref<640xf32, #tpu.memory_space<vmem>>, vector<16xf32>,
    %swap3A_63 = arith.constant 64 : index
    %swap3A_64 = tpu.vector_load %arg14[%swap3A_63] {strides = array<i32>} : memref<640xf32, #tpu.memory_space<vmem>>, vector<16xf32>,
    %swap3A_65 = vector.shape_cast %swap3A_64 : vector<16xf32> to vector<16xf32>
    %swap3A_66 = vector.shape_cast %broadcast_in_dim3A_11 : vector<16xf32> to vector<16xf32>
    tpu.vector_store %arg14[%swap3A_63], %swap3A_66 {strides = array<i32>} : memref<640xf32, #tpu.memory_space<vmem>>, vector<16xf32>,
    %swap3A_67 = arith.constant 64 : index
    %swap3A_68 = tpu.vector_load %arg15[%swap3A_67] {strides = array<i32>} : memref<640xf32, #tpu.memory_space<vmem>>, vector<16xf32>,
    %swap3A_69 = vector.shape_cast %swap3A_68 : vector<16xf32> to vector<16xf32>
    %swap3A_70 = vector.shape_cast %broadcast_in_dim3A_11 : vector<16xf32> to vector<16xf32>
    tpu.vector_store %arg15[%swap3A_67], %swap3A_70 {strides = array<i32>} : memref<640xf32, #tpu.memory_space<vmem>>, vector<16xf32>,
    %swap3A_71 = arith.constant 80 : index
    %swap3A_72 = tpu.vector_load %arg13[%swap3A_71] {strides = array<i32>} : memref<640xf32, #tpu.memory_space<vmem>>, vector<16xf32>,
    %swap3A_73 = vector.shape_cast %swap3A_72 : vector<16xf32> to vector<16xf32>
    %swap3A_74 = vector.shape_cast %broadcast_in_dim3A_9 : vector<16xf32> to vector<16xf32>
    tpu.vector_store %arg13[%swap3A_71], %swap3A_74 {strides = array<i32>} : memref<640xf32, #tpu.memory_space<vmem>>, vector<16xf32>,
    %swap3A_75 = arith.constant 80 : index
    %swap3A_76 = tpu.vector_load %arg14[%swap3A_75] {strides = array<i32>} : memref<640xf32, #tpu.memory_space<vmem>>, vector<16xf32>,
    %swap3A_77 = vector.shape_cast %swap3A_76 : vector<16xf32> to vector<16xf32>
    %swap3A_78 = vector.shape_cast %broadcast_in_dim3A_11 : vector<16xf32> to vector<16xf32>
    tpu.vector_store %arg14[%swap3A_75], %swap3A_78 {strides = array<i32>} : memref<640xf32, #tpu.memory_space<vmem>>, vector<16xf32>,
    %swap3A_79 = arith.constant 80 : index
    %swap3A_80 = tpu.vector_load %arg15[%swap3A_79] {strides = array<i32>} : memref<640xf32, #tpu.memory_space<vmem>>, vector<16xf32>,
    %swap3A_81 = vector.shape_cast %swap3A_80 : vector<16xf32> to vector<16xf32>
    %swap3A_82 = vector.shape_cast %broadcast_in_dim3A_11 : vector<16xf32> to vector<16xf32>
    tpu.vector_store %arg15[%swap3A_79], %swap3A_82 {strides = array<i32>} : memref<640xf32, #tpu.memory_space<vmem>>, vector<16xf32>,
    %swap3A_83 = arith.constant 96 : index
    %swap3A_84 = tpu.vector_load %arg13[%swap3A_83] {strides = array<i32>} : memref<640xf32, #tpu.memory_space<vmem>>, vector<16xf32>,
    %swap3A_85 = vector.shape_cast %swap3A_84 : vector<16xf32> to vector<16xf32>
    %swap3A_86 = vector.shape_cast %broadcast_in_dim3A_9 : vector<16xf32> to vector<16xf32>
    tpu.vector_store %arg13[%swap3A_83], %swap3A_86 {strides = array<i32>} : memref<640xf32, #tpu.memory_space<vmem>>, vector<16xf32>,
    %swap3A_87 = arith.constant 96 : index
    %swap3A_88 = tpu.vector_load %arg14[%swap3A_87] {strides = array<i32>} : memref<640xf32, #tpu.memory_space<vmem>>, vector<16xf32>,
    %swap3A_89 = vector.shape_cast %swap3A_88 : vector<16xf32> to vector<16xf32>
    %swap3A_90 = vector.shape_cast %broadcast_in_dim3A_11 : vector<16xf32> to vector<16xf32>
    tpu.vector_store %arg14[%swap3A_87], %swap3A_90 {strides = array<i32>} : memref<640xf32, #tpu.memory_space<vmem>>, vector<16xf32>,
    %swap3A_91 = arith.constant 96 : index
    %swap3A_92 = tpu.vector_load %arg15[%swap3A_91] {strides = array<i32>} : memref<640xf32, #tpu.memory_space<vmem>>, vector<16xf32>,
    %swap3A_93 = vector.shape_cast %swap3A_92 : vector<16xf32> to vector<16xf32>
    %swap3A_94 = vector.shape_cast %broadcast_in_dim3A_11 : vector<16xf32> to vector<16xf32>
    tpu.vector_store %arg15[%swap3A_91], %swap3A_94 {strides = array<i32>} : memref<640xf32, #tpu.memory_space<vmem>>, vector<16xf32>,
    %swap3A_95 = arith.constant 112 : index
    %swap3A_96 = tpu.vector_load %arg13[%swap3A_95] {strides = array<i32>} : memref<640xf32, #tpu.memory_space<vmem>>, vector<16xf32>,
    %swap3A_97 = vector.shape_cast %swap3A_96 : vector<16xf32> to vector<16xf32>
    %swap3A_98 = vector.shape_cast %broadcast_in_dim3A_9 : vector<16xf32> to vector<16xf32>
    tpu.vector_store %arg13[%swap3A_95], %swap3A_98 {strides = array<i32>} : memref<640xf32, #tpu.memory_space<vmem>>, vector<16xf32>,
    %swap3A_99 = arith.constant 112 : index
    %swap3A_100 = tpu.vector_load %arg14[%swap3A_99] {strides = array<i32>} : memref<640xf32, #tpu.memory_space<vmem>>, vector<16xf32>,
    %swap3A_101 = vector.shape_cast %swap3A_100 : vector<16xf32> to vector<16xf32>
    %swap3A_102 = vector.shape_cast %broadcast_in_dim3A_11 : vector<16xf32> to vector<16xf32>
    tpu.vector_store %arg14[%swap3A_99], %swap3A_102 {strides = array<i32>} : memref<640xf32, #tpu.memory_space<vmem>>, vector<16xf32>,
    %swap3A_103 = arith.constant 112 : index
    %swap3A_104 = tpu.vector_load %arg15[%swap3A_103] {strides = array<i32>} : memref<640xf32, #tpu.memory_space<vmem>>, vector<16xf32>,
    %swap3A_105 = vector.shape_cast %swap3A_104 : vector<16xf32> to vector<16xf32>
    %swap3A_106 = vector.shape_cast %broadcast_in_dim3A_11 : vector<16xf32> to vector<16xf32>
    tpu.vector_store %arg15[%swap3A_103], %swap3A_106 {strides = array<i32>} : memref<640xf32, #tpu.memory_space<vmem>>, vector<16xf32>,
    %swap3A_107 = arith.constant 128 : index
    %swap3A_108 = tpu.vector_load %arg13[%swap3A_107] {strides = array<i32>} : memref<640xf32, #tpu.memory_space<vmem>>, vector<16xf32>,
    %swap3A_109 = vector.shape_cast %swap3A_108 : vector<16xf32> to vector<16xf32>
    %swap3A_110 = vector.shape_cast %broadcast_in_dim3A_9 : vector<16xf32> to vector<16xf32>
    tpu.vector_store %arg13[%swap3A_107], %swap3A_110 {strides = array<i32>} : memref<640xf32, #tpu.memory_space<vmem>>, vector<16xf32>,
    %swap3A_111 = arith.constant 128 : index
    %swap3A_112 = tpu.vector_load %arg14[%swap3A_111] {strides = array<i32>} : memref<640xf32, #tpu.memory_space<vmem>>, vector<16xf32>,
    %swap3A_113 = vector.shape_cast %swap3A_112 : vector<16xf32> to vector<16xf32>
    %swap3A_114 = vector.shape_cast %broadcast_in_dim3A_11 : vector<16xf32> to vector<16xf32>
    tpu.vector_store %arg14[%swap3A_111], %swap3A_114 {strides = array<i32>} : memref<640xf32, #tpu.memory_space<vmem>>, vector<16xf32>,
    %swap3A_115 = arith.constant 128 : index
    %swap3A_116 = tpu.vector_load %arg15[%swap3A_115] {strides = array<i32>} : memref<640xf32, #tpu.memory_space<vmem>>, vector<16xf32>,
    %swap3A_117 = vector.shape_cast %swap3A_116 : vector<16xf32> to vector<16xf32>
    %swap3A_118 = vector.shape_cast %broadcast_in_dim3A_11 : vector<16xf32> to vector<16xf32>
    tpu.vector_store %arg15[%swap3A_115], %swap3A_118 {strides = array<i32>} : memref<640xf32, #tpu.memory_space<vmem>>, vector<16xf32>,
    %swap3A_119 = arith.constant 144 : index
    %swap3A_120 = tpu.vector_load %arg13[%swap3A_119] {strides = array<i32>} : memref<640xf32, #tpu.memory_space<vmem>>, vector<16xf32>,
    %swap3A_121 = vector.shape_cast %swap3A_120 : vector<16xf32> to vector<16xf32>
    %swap3A_122 = vector.shape_cast %broadcast_in_dim3A_9 : vector<16xf32> to vector<16xf32>
    tpu.vector_store %arg13[%swap3A_119], %swap3A_122 {strides = array<i32>} : memref<640xf32, #tpu.memory_space<vmem>>, vector<16xf32>,
    %swap3A_123 = arith.constant 144 : index
    %swap3A_124 = tpu.vector_load %arg14[%swap3A_123] {strides = array<i32>} : memref<640xf32, #tpu.memory_space<vmem>>, vector<16xf32>,
    %swap3A_125 = vector.shape_cast %swap3A_124 : vector<16xf32> to vector<16xf32>
    %swap3A_126 = vector.shape_cast %broadcast_in_dim3A_11 : vector<16xf32> to vector<16xf32>
    tpu.vector_store %arg14[%swap3A_123], %swap3A_126 {strides = array<i32>} : memref<640xf32, #tpu.memory_space<vmem>>, vector<16xf32>,
    %swap3A_127 = arith.constant 144 : index
    %swap3A_128 = tpu.vector_load %arg15[%swap3A_127] {strides = array<i32>} : memref<640xf32, #tpu.memory_space<vmem>>, vector<16xf32>,
    %swap3A_129 = vector.shape_cast %swap3A_128 : vector<16xf32> to vector<16xf32>
    %swap3A_130 = vector.shape_cast %broadcast_in_dim3A_11 : vector<16xf32> to vector<16xf32>
    tpu.vector_store %arg15[%swap3A_127], %swap3A_130 {strides = array<i32>} : memref<640xf32, #tpu.memory_space<vmem>>, vector<16xf32>,
    %swap3A_131 = arith.constant 160 : index
    %swap3A_132 = tpu.vector_load %arg13[%swap3A_131] {strides = array<i32>} : memref<640xf32, #tpu.memory_space<vmem>>, vector<16xf32>,
    %swap3A_133 = vector.shape_cast %swap3A_132 : vector<16xf32> to vector<16xf32>
    %swap3A_134 = vector.shape_cast %broadcast_in_dim3A_9 : vector<16xf32> to vector<16xf32>
    tpu.vector_store %arg13[%swap3A_131], %swap3A_134 {strides = array<i32>} : memref<640xf32, #tpu.memory_space<vmem>>, vector<16xf32>,
    %swap3A_135 = arith.constant 160 : index
    %swap3A_136 = tpu.vector_load %arg14[%swap3A_135] {strides = array<i32>} : memref<640xf32, #tpu.memory_space<vmem>>, vector<16xf32>,
    %swap3A_137 = vector.shape_cast %swap3A_136 : vector<16xf32> to vector<16xf32>
    %swap3A_138 = vector.shape_cast %broadcast_in_dim3A_11 : vector<16xf32> to vector<16xf32>
    tpu.vector_store %arg14[%swap3A_135], %swap3A_138 {strides = array<i32>} : memref<640xf32, #tpu.memory_space<vmem>>, vector<16xf32>,
    %swap3A_139 = arith.constant 160 : index
    %swap3A_140 = tpu.vector_load %arg15[%swap3A_139] {strides = array<i32>} : memref<640xf32, #tpu.memory_space<vmem>>, vector<16xf32>,
    %swap3A_141 = vector.shape_cast %swap3A_140 : vector<16xf32> to vector<16xf32>
    %swap3A_142 = vector.shape_cast %broadcast_in_dim3A_11 : vector<16xf32> to vector<16xf32>
    tpu.vector_store %arg15[%swap3A_139], %swap3A_142 {strides = array<i32>} : memref<640xf32, #tpu.memory_space<vmem>>, vector<16xf32>,
    %swap3A_143 = arith.constant 176 : index
    %swap3A_144 = tpu.vector_load %arg13[%swap3A_143] {strides = array<i32>} : memref<640xf32, #tpu.memory_space<vmem>>, vector<16xf32>,
    %swap3A_145 = vector.shape_cast %swap3A_144 : vector<16xf32> to vector<16xf32>
    %swap3A_146 = vector.shape_cast %broadcast_in_dim3A_9 : vector<16xf32> to vector<16xf32>
    tpu.vector_store %arg13[%swap3A_143], %swap3A_146 {strides = array<i32>} : memref<640xf32, #tpu.memory_space<vmem>>, vector<16xf32>,
    %swap3A_147 = arith.constant 176 : index
    %swap3A_148 = tpu.vector_load %arg14[%swap3A_147] {strides = array<i32>} : memref<640xf32, #tpu.memory_space<vmem>>, vector<16xf32>,
    %swap3A_149 = vector.shape_cast %swap3A_148 : vector<16xf32> to vector<16xf32>
    %swap3A_150 = vector.shape_cast %broadcast_in_dim3A_11 : vector<16xf32> to vector<16xf32>
    tpu.vector_store %arg14[%swap3A_147], %swap3A_150 {strides = array<i32>} : memref<640xf32, #tpu.memory_space<vmem>>, vector<16xf32>,
    %swap3A_151 = arith.constant 176 : index
    %swap3A_152 = tpu.vector_load %arg15[%swap3A_151] {strides = array<i32>} : memref<640xf32, #tpu.memory_space<vmem>>, vector<16xf32>,
    %swap3A_153 = vector.shape_cast %swap3A_152 : vector<16xf32> to vector<16xf32>
    %swap3A_154 = vector.shape_cast %broadcast_in_dim3A_11 : vector<16xf32> to vector<16xf32>
    tpu.vector_store %arg15[%swap3A_151], %swap3A_154 {strides = array<i32>} : memref<640xf32, #tpu.memory_space<vmem>>, vector<16xf32>,
    %swap3A_155 = arith.constant 192 : index
    %swap3A_156 = tpu.vector_load %arg13[%swap3A_155] {strides = array<i32>} : memref<640xf32, #tpu.memory_space<vmem>>, vector<16xf32>,
    %swap3A_157 = vector.shape_cast %swap3A_156 : vector<16xf32> to vector<16xf32>
    %swap3A_158 = vector.shape_cast %broadcast_in_dim3A_9 : vector<16xf32> to vector<16xf32>
    tpu.vector_store %arg13[%swap3A_155], %swap3A_158 {strides = array<i32>} : memref<640xf32, #tpu.memory_space<vmem>>, vector<16xf32>,
    %swap3A_159 = arith.constant 192 : index
    %swap3A_160 = tpu.vector_load %arg14[%swap3A_159] {strides = array<i32>} : memref<640xf32, #tpu.memory_space<vmem>>, vector<16xf32>,
    %swap3A_161 = vector.shape_cast %swap3A_160 : vector<16xf32> to vector<16xf32>
    %swap3A_162 = vector.shape_cast %broadcast_in_dim3A_11 : vector<16xf32> to vector<16xf32>
    tpu.vector_store %arg14[%swap3A_159], %swap3A_162 {strides = array<i32>} : memref<640xf32, #tpu.memory_space<vmem>>, vector<16xf32>,
    %swap3A_163 = arith.constant 192 : index
    %swap3A_164 = tpu.vector_load %arg15[%swap3A_163] {strides = array<i32>} : memref<640xf32, #tpu.memory_space<vmem>>, vector<16xf32>,
    %swap3A_165 = vector.shape_cast %swap3A_164 : vector<16xf32> to vector<16xf32>
    %swap3A_166 = vector.shape_cast %broadcast_in_dim3A_11 : vector<16xf32> to vector<16xf32>
    tpu.vector_store %arg15[%swap3A_163], %swap3A_166 {strides = array<i32>} : memref<640xf32, #tpu.memory_space<vmem>>, vector<16xf32>,
    %swap3A_167 = arith.constant 208 : index
    %swap3A_168 = tpu.vector_load %arg13[%swap3A_167] {strides = array<i32>} : memref<640xf32, #tpu.memory_space<vmem>>, vector<16xf32>,
    %swap3A_169 = vector.shape_cast %swap3A_168 : vector<16xf32> to vector<16xf32>
    %swap3A_170 = vector.shape_cast %broadcast_in_dim3A_9 : vector<16xf32> to vector<16xf32>
    tpu.vector_store %arg13[%swap3A_167], %swap3A_170 {strides = array<i32>} : memref<640xf32, #tpu.memory_space<vmem>>, vector<16xf32>,
    %swap3A_171 = arith.constant 208 : index
    %swap3A_172 = tpu.vector_load %arg14[%swap3A_171] {strides = array<i32>} : memref<640xf32, #tpu.memory_space<vmem>>, vector<16xf32>,
    %swap3A_173 = vector.shape_cast %swap3A_172 : vector<16xf32> to vector<16xf32>
    %swap3A_174 = vector.shape_cast %broadcast_in_dim3A_11 : vector<16xf32> to vector<16xf32>
    tpu.vector_store %arg14[%swap3A_171], %swap3A_174 {strides = array<i32>} : memref<640xf32, #tpu.memory_space<vmem>>, vector<16xf32>,
    %swap3A_175 = arith.constant 208 : index
    %swap3A_176 = tpu.vector_load %arg15[%swap3A_175] {strides = array<i32>} : memref<640xf32, #tpu.memory_space<vmem>>, vector<16xf32>,
    %swap3A_177 = vector.shape_cast %swap3A_176 : vector<16xf32> to vector<16xf32>
    %swap3A_178 = vector.shape_cast %broadcast_in_dim3A_11 : vector<16xf32> to vector<16xf32>
    tpu.vector_store %arg15[%swap3A_175], %swap3A_178 {strides = array<i32>} : memref<640xf32, #tpu.memory_space<vmem>>, vector<16xf32>,
    %swap3A_179 = arith.constant 224 : index
    %swap3A_180 = tpu.vector_load %arg13[%swap3A_179] {strides = array<i32>} : memref<640xf32, #tpu.memory_space<vmem>>, vector<16xf32>,
    %swap3A_181 = vector.shape_cast %swap3A_180 : vector<16xf32> to vector<16xf32>
    %swap3A_182 = vector.shape_cast %broadcast_in_dim3A_9 : vector<16xf32> to vector<16xf32>
    tpu.vector_store %arg13[%swap3A_179], %swap3A_182 {strides = array<i32>} : memref<640xf32, #tpu.memory_space<vmem>>, vector<16xf32>,
    %swap3A_183 = arith.constant 224 : index
    %swap3A_184 = tpu.vector_load %arg14[%swap3A_183] {strides = array<i32>} : memref<640xf32, #tpu.memory_space<vmem>>, vector<16xf32>,
    %swap3A_185 = vector.shape_cast %swap3A_184 : vector<16xf32> to vector<16xf32>
    %swap3A_186 = vector.shape_cast %broadcast_in_dim3A_11 : vector<16xf32> to vector<16xf32>
    tpu.vector_store %arg14[%swap3A_183], %swap3A_186 {strides = array<i32>} : memref<640xf32, #tpu.memory_space<vmem>>, vector<16xf32>,
    %swap3A_187 = arith.constant 224 : index
    %swap3A_188 = tpu.vector_load %arg15[%swap3A_187] {strides = array<i32>} : memref<640xf32, #tpu.memory_space<vmem>>, vector<16xf32>,
    %swap3A_189 = vector.shape_cast %swap3A_188 : vector<16xf32> to vector<16xf32>
    %swap3A_190 = vector.shape_cast %broadcast_in_dim3A_11 : vector<16xf32> to vector<16xf32>
    tpu.vector_store %arg15[%swap3A_187], %swap3A_190 {strides = array<i32>} : memref<640xf32, #tpu.memory_space<vmem>>, vector<16xf32>,
    %swap3A_191 = arith.constant 240 : index
    %swap3A_192 = tpu.vector_load %arg13[%swap3A_191] {strides = array<i32>} : memref<640xf32, #tpu.memory_space<vmem>>, vector<16xf32>,
    %swap3A_193 = vector.shape_cast %swap3A_192 : vector<16xf32> to vector<16xf32>
    %swap3A_194 = vector.shape_cast %broadcast_in_dim3A_9 : vector<16xf32> to vector<16xf32>
    tpu.vector_store %arg13[%swap3A_191], %swap3A_194 {strides = array<i32>} : memref<640xf32, #tpu.memory_space<vmem>>, vector<16xf32>,
    %swap3A_195 = arith.constant 240 : index
    %swap3A_196 = tpu.vector_load %arg14[%swap3A_195] {strides = array<i32>} : memref<640xf32, #tpu.memory_space<vmem>>, vector<16xf32>,
    %swap3A_197 = vector.shape_cast %swap3A_196 : vector<16xf32> to vector<16xf32>
    %swap3A_198 = vector.shape_cast %broadcast_in_dim3A_11 : vector<16xf32> to vector<16xf32>
    tpu.vector_store %arg14[%swap3A_195], %swap3A_198 {strides = array<i32>} : memref<640xf32, #tpu.memory_space<vmem>>, vector<16xf32>,
    %swap3A_199 = arith.constant 240 : index
    %swap3A_200 = tpu.vector_load %arg15[%swap3A_199] {strides = array<i32>} : memref<640xf32, #tpu.memory_space<vmem>>, vector<16xf32>,
    %swap3A_201 = vector.shape_cast %swap3A_200 : vector<16xf32> to vector<16xf32>
    %swap3A_202 = vector.shape_cast %broadcast_in_dim3A_11 : vector<16xf32> to vector<16xf32>
    tpu.vector_store %arg15[%swap3A_199], %swap3A_202 {strides = array<i32>} : memref<640xf32, #tpu.memory_space<vmem>>, vector<16xf32>,
    %swap3A_203 = arith.constant 256 : index
    %swap3A_204 = tpu.vector_load %arg13[%swap3A_203] {strides = array<i32>} : memref<640xf32, #tpu.memory_space<vmem>>, vector<16xf32>,
    %swap3A_205 = vector.shape_cast %swap3A_204 : vector<16xf32> to vector<16xf32>
    %swap3A_206 = vector.shape_cast %broadcast_in_dim3A_9 : vector<16xf32> to vector<16xf32>
    tpu.vector_store %arg13[%swap3A_203], %swap3A_206 {strides = array<i32>} : memref<640xf32, #tpu.memory_space<vmem>>, vector<16xf32>,
    %swap3A_207 = arith.constant 256 : index
    %swap3A_208 = tpu.vector_load %arg14[%swap3A_207] {strides = array<i32>} : memref<640xf32, #tpu.memory_space<vmem>>, vector<16xf32>,
    %swap3A_209 = vector.shape_cast %swap3A_208 : vector<16xf32> to vector<16xf32>
    %swap3A_210 = vector.shape_cast %broadcast_in_dim3A_11 : vector<16xf32> to vector<16xf32>
    tpu.vector_store %arg14[%swap3A_207], %swap3A_210 {strides = array<i32>} : memref<640xf32, #tpu.memory_space<vmem>>, vector<16xf32>,
    %swap3A_211 = arith.constant 256 : index
    %swap3A_212 = tpu.vector_load %arg15[%swap3A_211] {strides = array<i32>} : memref<640xf32, #tpu.memory_space<vmem>>, vector<16xf32>,
    %swap3A_213 = vector.shape_cast %swap3A_212 : vector<16xf32> to vector<16xf32>
    %swap3A_214 = vector.shape_cast %broadcast_in_dim3A_11 : vector<16xf32> to vector<16xf32>
    tpu.vector_store %arg15[%swap3A_211], %swap3A_214 {strides = array<i32>} : memref<640xf32, #tpu.memory_space<vmem>>, vector<16xf32>,
    %swap3A_215 = arith.constant 272 : index
    %swap3A_216 = tpu.vector_load %arg13[%swap3A_215] {strides = array<i32>} : memref<640xf32, #tpu.memory_space<vmem>>, vector<16xf32>,
    %swap3A_217 = vector.shape_cast %swap3A_216 : vector<16xf32> to vector<16xf32>
    %swap3A_218 = vector.shape_cast %broadcast_in_dim3A_9 : vector<16xf32> to vector<16xf32>
    tpu.vector_store %arg13[%swap3A_215], %swap3A_218 {strides = array<i32>} : memref<640xf32, #tpu.memory_space<vmem>>, vector<16xf32>,
    %swap3A_219 = arith.constant 272 : index
    %swap3A_220 = tpu.vector_load %arg14[%swap3A_219] {strides = array<i32>} : memref<640xf32, #tpu.memory_space<vmem>>, vector<16xf32>,
    %swap3A_221 = vector.shape_cast %swap3A_220 : vector<16xf32> to vector<16xf32>
    %swap3A_222 = vector.shape_cast %broadcast_in_dim3A_11 : vector<16xf32> to vector<16xf32>
    tpu.vector_store %arg14[%swap3A_219], %swap3A_222 {strides = array<i32>} : memref<640xf32, #tpu.memory_space<vmem>>, vector<16xf32>,
    %swap3A_223 = arith.constant 272 : index
    %swap3A_224 = tpu.vector_load %arg15[%swap3A_223] {strides = array<i32>} : memref<640xf32, #tpu.memory_space<vmem>>, vector<16xf32>,
    %swap3A_225 = vector.shape_cast %swap3A_224 : vector<16xf32> to vector<16xf32>
    %swap3A_226 = vector.shape_cast %broadcast_in_dim3A_11 : vector<16xf32> to vector<16xf32>
    tpu.vector_store %arg15[%swap3A_223], %swap3A_226 {strides = array<i32>} : memref<640xf32, #tpu.memory_space<vmem>>, vector<16xf32>,
    %swap3A_227 = arith.constant 288 : index
    %swap3A_228 = tpu.vector_load %arg13[%swap3A_227] {strides = array<i32>} : memref<640xf32, #tpu.memory_space<vmem>>, vector<16xf32>,
    %swap3A_229 = vector.shape_cast %swap3A_228 : vector<16xf32> to vector<16xf32>
    %swap3A_230 = vector.shape_cast %broadcast_in_dim3A_9 : vector<16xf32> to vector<16xf32>
    tpu.vector_store %arg13[%swap3A_227], %swap3A_230 {strides = array<i32>} : memref<640xf32, #tpu.memory_space<vmem>>, vector<16xf32>,
    %swap3A_231 = arith.constant 288 : index
    %swap3A_232 = tpu.vector_load %arg14[%swap3A_231] {strides = array<i32>} : memref<640xf32, #tpu.memory_space<vmem>>, vector<16xf32>,
    %swap3A_233 = vector.shape_cast %swap3A_232 : vector<16xf32> to vector<16xf32>
    %swap3A_234 = vector.shape_cast %broadcast_in_dim3A_11 : vector<16xf32> to vector<16xf32>
    tpu.vector_store %arg14[%swap3A_231], %swap3A_234 {strides = array<i32>} : memref<640xf32, #tpu.memory_space<vmem>>, vector<16xf32>,
    %swap3A_235 = arith.constant 288 : index
    %swap3A_236 = tpu.vector_load %arg15[%swap3A_235] {strides = array<i32>} : memref<640xf32, #tpu.memory_space<vmem>>, vector<16xf32>,
    %swap3A_237 = vector.shape_cast %swap3A_236 : vector<16xf32> to vector<16xf32>
    %swap3A_238 = vector.shape_cast %broadcast_in_dim3A_11 : vector<16xf32> to vector<16xf32>
    tpu.vector_store %arg15[%swap3A_235], %swap3A_238 {strides = array<i32>} : memref<640xf32, #tpu.memory_space<vmem>>, vector<16xf32>,
    %swap3A_239 = arith.constant 304 : index
    %swap3A_240 = tpu.vector_load %arg13[%swap3A_239] {strides = array<i32>} : memref<640xf32, #tpu.memory_space<vmem>>, vector<16xf32>,
    %swap3A_241 = vector.shape_cast %swap3A_240 : vector<16xf32> to vector<16xf32>
    %swap3A_242 = vector.shape_cast %broadcast_in_dim3A_9 : vector<16xf32> to vector<16xf32>
    tpu.vector_store %arg13[%swap3A_239], %swap3A_242 {strides = array<i32>} : memref<640xf32, #tpu.memory_space<vmem>>, vector<16xf32>,
    %swap3A_243 = arith.constant 304 : index
    %swap3A_244 = tpu.vector_load %arg14[%swap3A_243] {strides = array<i32>} : memref<640xf32, #tpu.memory_space<vmem>>, vector<16xf32>,
    %swap3A_245 = vector.shape_cast %swap3A_244 : vector<16xf32> to vector<16xf32>
    %swap3A_246 = vector.shape_cast %broadcast_in_dim3A_11 : vector<16xf32> to vector<16xf32>
    tpu.vector_store %arg14[%swap3A_243], %swap3A_246 {strides = array<i32>} : memref<640xf32, #tpu.memory_space<vmem>>, vector<16xf32>,
    %swap3A_247 = arith.constant 304 : index
    %swap3A_248 = tpu.vector_load %arg15[%swap3A_247] {strides = array<i32>} : memref<640xf32, #tpu.memory_space<vmem>>, vector<16xf32>,
    %swap3A_249 = vector.shape_cast %swap3A_248 : vector<16xf32> to vector<16xf32>
    %swap3A_250 = vector.shape_cast %broadcast_in_dim3A_11 : vector<16xf32> to vector<16xf32>
    tpu.vector_store %arg15[%swap3A_247], %swap3A_250 {strides = array<i32>} : memref<640xf32, #tpu.memory_space<vmem>>, vector<16xf32>,
    %swap3A_251 = arith.constant 320 : index
    %swap3A_252 = tpu.vector_load %arg13[%swap3A_251] {strides = array<i32>} : memref<640xf32, #tpu.memory_space<vmem>>, vector<16xf32>,
    %swap3A_253 = vector.shape_cast %swap3A_252 : vector<16xf32> to vector<16xf32>
    %swap3A_254 = vector.shape_cast %broadcast_in_dim3A_9 : vector<16xf32> to vector<16xf32>
    tpu.vector_store %arg13[%swap3A_251], %swap3A_254 {strides = array<i32>} : memref<640xf32, #tpu.memory_space<vmem>>, vector<16xf32>,
    %swap3A_255 = arith.constant 320 : index
    %swap3A_256 = tpu.vector_load %arg14[%swap3A_255] {strides = array<i32>} : memref<640xf32, #tpu.memory_space<vmem>>, vector<16xf32>,
    %swap3A_257 = vector.shape_cast %swap3A_256 : vector<16xf32> to vector<16xf32>
    %swap3A_258 = vector.shape_cast %broadcast_in_dim3A_11 : vector<16xf32> to vector<16xf32>
    tpu.vector_store %arg14[%swap3A_255], %swap3A_258 {strides = array<i32>} : memref<640xf32, #tpu.memory_space<vmem>>, vector<16xf32>,
    %swap3A_259 = arith.constant 320 : index
    %swap3A_260 = tpu.vector_load %arg15[%swap3A_259] {strides = array<i32>} : memref<640xf32, #tpu.memory_space<vmem>>, vector<16xf32>,
    %swap3A_261 = vector.shape_cast %swap3A_260 : vector<16xf32> to vector<16xf32>
    %swap3A_262 = vector.shape_cast %broadcast_in_dim3A_11 : vector<16xf32> to vector<16xf32>
    tpu.vector_store %arg15[%swap3A_259], %swap3A_262 {strides = array<i32>} : memref<640xf32, #tpu.memory_space<vmem>>, vector<16xf32>,
    %swap3A_263 = arith.constant 336 : index
    %swap3A_264 = tpu.vector_load %arg13[%swap3A_263] {strides = array<i32>} : memref<640xf32, #tpu.memory_space<vmem>>, vector<16xf32>,
    %swap3A_265 = vector.shape_cast %swap3A_264 : vector<16xf32> to vector<16xf32>
    %swap3A_266 = vector.shape_cast %broadcast_in_dim3A_9 : vector<16xf32> to vector<16xf32>
    tpu.vector_store %arg13[%swap3A_263], %swap3A_266 {strides = array<i32>} : memref<640xf32, #tpu.memory_space<vmem>>, vector<16xf32>,
    %swap3A_267 = arith.constant 336 : index
    %swap3A_268 = tpu.vector_load %arg14[%swap3A_267] {strides = array<i32>} : memref<640xf32, #tpu.memory_space<vmem>>, vector<16xf32>,
    %swap3A_269 = vector.shape_cast %swap3A_268 : vector<16xf32> to vector<16xf32>
    %swap3A_270 = vector.shape_cast %broadcast_in_dim3A_11 : vector<16xf32> to vector<16xf32>
    tpu.vector_store %arg14[%swap3A_267], %swap3A_270 {strides = array<i32>} : memref<640xf32, #tpu.memory_space<vmem>>, vector<16xf32>,
    %swap3A_271 = arith.constant 336 : index
    %swap3A_272 = tpu.vector_load %arg15[%swap3A_271] {strides = array<i32>} : memref<640xf32, #tpu.memory_space<vmem>>, vector<16xf32>,
    %swap3A_273 = vector.shape_cast %swap3A_272 : vector<16xf32> to vector<16xf32>
    %swap3A_274 = vector.shape_cast %broadcast_in_dim3A_11 : vector<16xf32> to vector<16xf32>
    tpu.vector_store %arg15[%swap3A_271], %swap3A_274 {strides = array<i32>} : memref<640xf32, #tpu.memory_space<vmem>>, vector<16xf32>,
    %swap3A_275 = arith.constant 352 : index
    %swap3A_276 = tpu.vector_load %arg13[%swap3A_275] {strides = array<i32>} : memref<640xf32, #tpu.memory_space<vmem>>, vector<16xf32>,
    %swap3A_277 = vector.shape_cast %swap3A_276 : vector<16xf32> to vector<16xf32>
    %swap3A_278 = vector.shape_cast %broadcast_in_dim3A_9 : vector<16xf32> to vector<16xf32>
    tpu.vector_store %arg13[%swap3A_275], %swap3A_278 {strides = array<i32>} : memref<640xf32, #tpu.memory_space<vmem>>, vector<16xf32>,
    %swap3A_279 = arith.constant 352 : index
    %swap3A_280 = tpu.vector_load %arg14[%swap3A_279] {strides = array<i32>} : memref<640xf32, #tpu.memory_space<vmem>>, vector<16xf32>,
    %swap3A_281 = vector.shape_cast %swap3A_280 : vector<16xf32> to vector<16xf32>
    %swap3A_282 = vector.shape_cast %broadcast_in_dim3A_11 : vector<16xf32> to vector<16xf32>
    tpu.vector_store %arg14[%swap3A_279], %swap3A_282 {strides = array<i32>} : memref<640xf32, #tpu.memory_space<vmem>>, vector<16xf32>,
    %swap3A_283 = arith.constant 352 : index
    %swap3A_284 = tpu.vector_load %arg15[%swap3A_283] {strides = array<i32>} : memref<640xf32, #tpu.memory_space<vmem>>, vector<16xf32>,
    %swap3A_285 = vector.shape_cast %swap3A_284 : vector<16xf32> to vector<16xf32>
    %swap3A_286 = vector.shape_cast %broadcast_in_dim3A_11 : vector<16xf32> to vector<16xf32>
    tpu.vector_store %arg15[%swap3A_283], %swap3A_286 {strides = array<i32>} : memref<640xf32, #tpu.memory_space<vmem>>, vector<16xf32>,
    %swap3A_287 = arith.constant 368 : index
    %swap3A_288 = tpu.vector_load %arg13[%swap3A_287] {strides = array<i32>} : memref<640xf32, #tpu.memory_space<vmem>>, vector<16xf32>,
    %swap3A_289 = vector.shape_cast %swap3A_288 : vector<16xf32> to vector<16xf32>
    %swap3A_290 = vector.shape_cast %broadcast_in_dim3A_9 : vector<16xf32> to vector<16xf32>
    tpu.vector_store %arg13[%swap3A_287], %swap3A_290 {strides = array<i32>} : memref<640xf32, #tpu.memory_space<vmem>>, vector<16xf32>,
    %swap3A_291 = arith.constant 368 : index
    %swap3A_292 = tpu.vector_load %arg14[%swap3A_291] {strides = array<i32>} : memref<640xf32, #tpu.memory_space<vmem>>, vector<16xf32>,
    %swap3A_293 = vector.shape_cast %swap3A_292 : vector<16xf32> to vector<16xf32>
    %swap3A_294 = vector.shape_cast %broadcast_in_dim3A_11 : vector<16xf32> to vector<16xf32>
    tpu.vector_store %arg14[%swap3A_291], %swap3A_294 {strides = array<i32>} : memref<640xf32, #tpu.memory_space<vmem>>, vector<16xf32>,
    %swap3A_295 = arith.constant 368 : index
    %swap3A_296 = tpu.vector_load %arg15[%swap3A_295] {strides = array<i32>} : memref<640xf32, #tpu.memory_space<vmem>>, vector<16xf32>,
    %swap3A_297 = vector.shape_cast %swap3A_296 : vector<16xf32> to vector<16xf32>
    %swap3A_298 = vector.shape_cast %broadcast_in_dim3A_11 : vector<16xf32> to vector<16xf32>
    tpu.vector_store %arg15[%swap3A_295], %swap3A_298 {strides = array<i32>} : memref<640xf32, #tpu.memory_space<vmem>>, vector<16xf32>,
    %swap3A_299 = arith.constant 384 : index
    %swap3A_300 = tpu.vector_load %arg13[%swap3A_299] {strides = array<i32>} : memref<640xf32, #tpu.memory_space<vmem>>, vector<16xf32>,
    %swap3A_301 = vector.shape_cast %swap3A_300 : vector<16xf32> to vector<16xf32>
    %swap3A_302 = vector.shape_cast %broadcast_in_dim3A_9 : vector<16xf32> to vector<16xf32>
    tpu.vector_store %arg13[%swap3A_299], %swap3A_302 {strides = array<i32>} : memref<640xf32, #tpu.memory_space<vmem>>, vector<16xf32>,
    %swap3A_303 = arith.constant 384 : index
    %swap3A_304 = tpu.vector_load %arg14[%swap3A_303] {strides = array<i32>} : memref<640xf32, #tpu.memory_space<vmem>>, vector<16xf32>,
    %swap3A_305 = vector.shape_cast %swap3A_304 : vector<16xf32> to vector<16xf32>
    %swap3A_306 = vector.shape_cast %broadcast_in_dim3A_11 : vector<16xf32> to vector<16xf32>
    tpu.vector_store %arg14[%swap3A_303], %swap3A_306 {strides = array<i32>} : memref<640xf32, #tpu.memory_space<vmem>>, vector<16xf32>,
    %swap3A_307 = arith.constant 384 : index
    %swap3A_308 = tpu.vector_load %arg15[%swap3A_307] {strides = array<i32>} : memref<640xf32, #tpu.memory_space<vmem>>, vector<16xf32>,
    %swap3A_309 = vector.shape_cast %swap3A_308 : vector<16xf32> to vector<16xf32>
    %swap3A_310 = vector.shape_cast %broadcast_in_dim3A_11 : vector<16xf32> to vector<16xf32>
    tpu.vector_store %arg15[%swap3A_307], %swap3A_310 {strides = array<i32>} : memref<640xf32, #tpu.memory_space<vmem>>, vector<16xf32>,
    %swap3A_311 = arith.constant 400 : index
    %swap3A_312 = tpu.vector_load %arg13[%swap3A_311] {strides = array<i32>} : memref<640xf32, #tpu.memory_space<vmem>>, vector<16xf32>,
    %swap3A_313 = vector.shape_cast %swap3A_312 : vector<16xf32> to vector<16xf32>
    %swap3A_314 = vector.shape_cast %broadcast_in_dim3A_9 : vector<16xf32> to vector<16xf32>
    tpu.vector_store %arg13[%swap3A_311], %swap3A_314 {strides = array<i32>} : memref<640xf32, #tpu.memory_space<vmem>>, vector<16xf32>,
    %swap3A_315 = arith.constant 400 : index
    %swap3A_316 = tpu.vector_load %arg14[%swap3A_315] {strides = array<i32>} : memref<640xf32, #tpu.memory_space<vmem>>, vector<16xf32>,
    %swap3A_317 = vector.shape_cast %swap3A_316 : vector<16xf32> to vector<16xf32>
    %swap3A_318 = vector.shape_cast %broadcast_in_dim3A_11 : vector<16xf32> to vector<16xf32>
    tpu.vector_store %arg14[%swap3A_315], %swap3A_318 {strides = array<i32>} : memref<640xf32, #tpu.memory_space<vmem>>, vector<16xf32>,
    %swap3A_319 = arith.constant 400 : index
    %swap3A_320 = tpu.vector_load %arg15[%swap3A_319] {strides = array<i32>} : memref<640xf32, #tpu.memory_space<vmem>>, vector<16xf32>,
    %swap3A_321 = vector.shape_cast %swap3A_320 : vector<16xf32> to vector<16xf32>
    %swap3A_322 = vector.shape_cast %broadcast_in_dim3A_11 : vector<16xf32> to vector<16xf32>
    tpu.vector_store %arg15[%swap3A_319], %swap3A_322 {strides = array<i32>} : memref<640xf32, #tpu.memory_space<vmem>>, vector<16xf32>,
    %swap3A_323 = arith.constant 416 : index
    %swap3A_324 = tpu.vector_load %arg13[%swap3A_323] {strides = array<i32>} : memref<640xf32, #tpu.memory_space<vmem>>, vector<16xf32>,
    %swap3A_325 = vector.shape_cast %swap3A_324 : vector<16xf32> to vector<16xf32>
    %swap3A_326 = vector.shape_cast %broadcast_in_dim3A_9 : vector<16xf32> to vector<16xf32>
    tpu.vector_store %arg13[%swap3A_323], %swap3A_326 {strides = array<i32>} : memref<640xf32, #tpu.memory_space<vmem>>, vector<16xf32>,
    %swap3A_327 = arith.constant 416 : index
    %swap3A_328 = tpu.vector_load %arg14[%swap3A_327] {strides = array<i32>} : memref<640xf32, #tpu.memory_space<vmem>>, vector<16xf32>,
    %swap3A_329 = vector.shape_cast %swap3A_328 : vector<16xf32> to vector<16xf32>
    %swap3A_330 = vector.shape_cast %broadcast_in_dim3A_11 : vector<16xf32> to vector<16xf32>
    tpu.vector_store %arg14[%swap3A_327], %swap3A_330 {strides = array<i32>} : memref<640xf32, #tpu.memory_space<vmem>>, vector<16xf32>,
    %swap3A_331 = arith.constant 416 : index
    %swap3A_332 = tpu.vector_load %arg15[%swap3A_331] {strides = array<i32>} : memref<640xf32, #tpu.memory_space<vmem>>, vector<16xf32>,
    %swap3A_333 = vector.shape_cast %swap3A_332 : vector<16xf32> to vector<16xf32>
    %swap3A_334 = vector.shape_cast %broadcast_in_dim3A_11 : vector<16xf32> to vector<16xf32>
    tpu.vector_store %arg15[%swap3A_331], %swap3A_334 {strides = array<i32>} : memref<640xf32, #tpu.memory_space<vmem>>, vector<16xf32>,
    %swap3A_335 = arith.constant 432 : index
    %swap3A_336 = tpu.vector_load %arg13[%swap3A_335] {strides = array<i32>} : memref<640xf32, #tpu.memory_space<vmem>>, vector<16xf32>,
    %swap3A_337 = vector.shape_cast %swap3A_336 : vector<16xf32> to vector<16xf32>
    %swap3A_338 = vector.shape_cast %broadcast_in_dim3A_9 : vector<16xf32> to vector<16xf32>
    tpu.vector_store %arg13[%swap3A_335], %swap3A_338 {strides = array<i32>} : memref<640xf32, #tpu.memory_space<vmem>>, vector<16xf32>,
    %swap3A_339 = arith.constant 432 : index
    %swap3A_340 = tpu.vector_load %arg14[%swap3A_339] {strides = array<i32>} : memref<640xf32, #tpu.memory_space<vmem>>, vector<16xf32>,
    %swap3A_341 = vector.shape_cast %swap3A_340 : vector<16xf32> to vector<16xf32>
    %swap3A_342 = vector.shape_cast %broadcast_in_dim3A_11 : vector<16xf32> to vector<16xf32>
    tpu.vector_store %arg14[%swap3A_339], %swap3A_342 {strides = array<i32>} : memref<640xf32, #tpu.memory_space<vmem>>, vector<16xf32>,
    %swap3A_343 = arith.constant 432 : index
    %swap3A_344 = tpu.vector_load %arg15[%swap3A_343] {strides = array<i32>} : memref<640xf32, #tpu.memory_space<vmem>>, vector<16xf32>,
    %swap3A_345 = vector.shape_cast %swap3A_344 : vector<16xf32> to vector<16xf32>
    %swap3A_346 = vector.shape_cast %broadcast_in_dim3A_11 : vector<16xf32> to vector<16xf32>
    tpu.vector_store %arg15[%swap3A_343], %swap3A_346 {strides = array<i32>} : memref<640xf32, #tpu.memory_space<vmem>>, vector<16xf32>,
    %swap3A_347 = arith.constant 448 : index
    %swap3A_348 = tpu.vector_load %arg13[%swap3A_347] {strides = array<i32>} : memref<640xf32, #tpu.memory_space<vmem>>, vector<16xf32>,
    %swap3A_349 = vector.shape_cast %swap3A_348 : vector<16xf32> to vector<16xf32>
    %swap3A_350 = vector.shape_cast %broadcast_in_dim3A_9 : vector<16xf32> to vector<16xf32>
    tpu.vector_store %arg13[%swap3A_347], %swap3A_350 {strides = array<i32>} : memref<640xf32, #tpu.memory_space<vmem>>, vector<16xf32>,
    %swap3A_351 = arith.constant 448 : index
    %swap3A_352 = tpu.vector_load %arg14[%swap3A_351] {strides = array<i32>} : memref<640xf32, #tpu.memory_space<vmem>>, vector<16xf32>,
    %swap3A_353 = vector.shape_cast %swap3A_352 : vector<16xf32> to vector<16xf32>
    %swap3A_354 = vector.shape_cast %broadcast_in_dim3A_11 : vector<16xf32> to vector<16xf32>
    tpu.vector_store %arg14[%swap3A_351], %swap3A_354 {strides = array<i32>} : memref<640xf32, #tpu.memory_space<vmem>>, vector<16xf32>,
    %swap3A_355 = arith.constant 448 : index
    %swap3A_356 = tpu.vector_load %arg15[%swap3A_355] {strides = array<i32>} : memref<640xf32, #tpu.memory_space<vmem>>, vector<16xf32>,
    %swap3A_357 = vector.shape_cast %swap3A_356 : vector<16xf32> to vector<16xf32>
    %swap3A_358 = vector.shape_cast %broadcast_in_dim3A_11 : vector<16xf32> to vector<16xf32>
    tpu.vector_store %arg15[%swap3A_355], %swap3A_358 {strides = array<i32>} : memref<640xf32, #tpu.memory_space<vmem>>, vector<16xf32>,
    %swap3A_359 = arith.constant 464 : index
    %swap3A_360 = tpu.vector_load %arg13[%swap3A_359] {strides = array<i32>} : memref<640xf32, #tpu.memory_space<vmem>>, vector<16xf32>,
    %swap3A_361 = vector.shape_cast %swap3A_360 : vector<16xf32> to vector<16xf32>
    %swap3A_362 = vector.shape_cast %broadcast_in_dim3A_9 : vector<16xf32> to vector<16xf32>
    tpu.vector_store %arg13[%swap3A_359], %swap3A_362 {strides = array<i32>} : memref<640xf32, #tpu.memory_space<vmem>>, vector<16xf32>,
    %swap3A_363 = arith.constant 464 : index
    %swap3A_364 = tpu.vector_load %arg14[%swap3A_363] {strides = array<i32>} : memref<640xf32, #tpu.memory_space<vmem>>, vector<16xf32>,
    %swap3A_365 = vector.shape_cast %swap3A_364 : vector<16xf32> to vector<16xf32>
    %swap3A_366 = vector.shape_cast %broadcast_in_dim3A_11 : vector<16xf32> to vector<16xf32>
    tpu.vector_store %arg14[%swap3A_363], %swap3A_366 {strides = array<i32>} : memref<640xf32, #tpu.memory_space<vmem>>, vector<16xf32>,
    %swap3A_367 = arith.constant 464 : index
    %swap3A_368 = tpu.vector_load %arg15[%swap3A_367] {strides = array<i32>} : memref<640xf32, #tpu.memory_space<vmem>>, vector<16xf32>,
    %swap3A_369 = vector.shape_cast %swap3A_368 : vector<16xf32> to vector<16xf32>
    %swap3A_370 = vector.shape_cast %broadcast_in_dim3A_11 : vector<16xf32> to vector<16xf32>
    tpu.vector_store %arg15[%swap3A_367], %swap3A_370 {strides = array<i32>} : memref<640xf32, #tpu.memory_space<vmem>>, vector<16xf32>,
    %swap3A_371 = arith.constant 480 : index
    %swap3A_372 = tpu.vector_load %arg13[%swap3A_371] {strides = array<i32>} : memref<640xf32, #tpu.memory_space<vmem>>, vector<16xf32>,
    %swap3A_373 = vector.shape_cast %swap3A_372 : vector<16xf32> to vector<16xf32>
    %swap3A_374 = vector.shape_cast %broadcast_in_dim3A_9 : vector<16xf32> to vector<16xf32>
    tpu.vector_store %arg13[%swap3A_371], %swap3A_374 {strides = array<i32>} : memref<640xf32, #tpu.memory_space<vmem>>, vector<16xf32>,
    %swap3A_375 = arith.constant 480 : index
    %swap3A_376 = tpu.vector_load %arg14[%swap3A_375] {strides = array<i32>} : memref<640xf32, #tpu.memory_space<vmem>>, vector<16xf32>,
    %swap3A_377 = vector.shape_cast %swap3A_376 : vector<16xf32> to vector<16xf32>
    %swap3A_378 = vector.shape_cast %broadcast_in_dim3A_11 : vector<16xf32> to vector<16xf32>
    tpu.vector_store %arg14[%swap3A_375], %swap3A_378 {strides = array<i32>} : memref<640xf32, #tpu.memory_space<vmem>>, vector<16xf32>,
    %swap3A_379 = arith.constant 480 : index
    %swap3A_380 = tpu.vector_load %arg15[%swap3A_379] {strides = array<i32>} : memref<640xf32, #tpu.memory_space<vmem>>, vector<16xf32>,
    %swap3A_381 = vector.shape_cast %swap3A_380 : vector<16xf32> to vector<16xf32>
    %swap3A_382 = vector.shape_cast %broadcast_in_dim3A_11 : vector<16xf32> to vector<16xf32>
    tpu.vector_store %arg15[%swap3A_379], %swap3A_382 {strides = array<i32>} : memref<640xf32, #tpu.memory_space<vmem>>, vector<16xf32>,
    %swap3A_383 = arith.constant 496 : index
    %swap3A_384 = tpu.vector_load %arg13[%swap3A_383] {strides = array<i32>} : memref<640xf32, #tpu.memory_space<vmem>>, vector<16xf32>,
    %swap3A_385 = vector.shape_cast %swap3A_384 : vector<16xf32> to vector<16xf32>
    %swap3A_386 = vector.shape_cast %broadcast_in_dim3A_9 : vector<16xf32> to vector<16xf32>
    tpu.vector_store %arg13[%swap3A_383], %swap3A_386 {strides = array<i32>} : memref<640xf32, #tpu.memory_space<vmem>>, vector<16xf32>,
    %swap3A_387 = arith.constant 496 : index
    %swap3A_388 = tpu.vector_load %arg14[%swap3A_387] {strides = array<i32>} : memref<640xf32, #tpu.memory_space<vmem>>, vector<16xf32>,
    %swap3A_389 = vector.shape_cast %swap3A_388 : vector<16xf32> to vector<16xf32>
    %swap3A_390 = vector.shape_cast %broadcast_in_dim3A_11 : vector<16xf32> to vector<16xf32>
    tpu.vector_store %arg14[%swap3A_387], %swap3A_390 {strides = array<i32>} : memref<640xf32, #tpu.memory_space<vmem>>, vector<16xf32>,
    %swap3A_391 = arith.constant 496 : index
    %swap3A_392 = tpu.vector_load %arg15[%swap3A_391] {strides = array<i32>} : memref<640xf32, #tpu.memory_space<vmem>>, vector<16xf32>,
    %swap3A_393 = vector.shape_cast %swap3A_392 : vector<16xf32> to vector<16xf32>
    %swap3A_394 = vector.shape_cast %broadcast_in_dim3A_11 : vector<16xf32> to vector<16xf32>
    tpu.vector_store %arg15[%swap3A_391], %swap3A_394 {strides = array<i32>} : memref<640xf32, #tpu.memory_space<vmem>>, vector<16xf32>,
    %swap3A_395 = arith.constant 512 : index
    %swap3A_396 = tpu.vector_load %arg13[%swap3A_395] {strides = array<i32>} : memref<640xf32, #tpu.memory_space<vmem>>, vector<16xf32>,
    %swap3A_397 = vector.shape_cast %swap3A_396 : vector<16xf32> to vector<16xf32>
    %swap3A_398 = vector.shape_cast %broadcast_in_dim3A_9 : vector<16xf32> to vector<16xf32>
    tpu.vector_store %arg13[%swap3A_395], %swap3A_398 {strides = array<i32>} : memref<640xf32, #tpu.memory_space<vmem>>, vector<16xf32>,
    %swap3A_399 = arith.constant 512 : index
    %swap3A_400 = tpu.vector_load %arg14[%swap3A_399] {strides = array<i32>} : memref<640xf32, #tpu.memory_space<vmem>>, vector<16xf32>,
    %swap3A_401 = vector.shape_cast %swap3A_400 : vector<16xf32> to vector<16xf32>
    %swap3A_402 = vector.shape_cast %broadcast_in_dim3A_11 : vector<16xf32> to vector<16xf32>
    tpu.vector_store %arg14[%swap3A_399], %swap3A_402 {strides = array<i32>} : memref<640xf32, #tpu.memory_space<vmem>>, vector<16xf32>,
    %swap3A_403 = arith.constant 512 : index
    %swap3A_404 = tpu.vector_load %arg15[%swap3A_403] {strides = array<i32>} : memref<640xf32, #tpu.memory_space<vmem>>, vector<16xf32>,
    %swap3A_405 = vector.shape_cast %swap3A_404 : vector<16xf32> to vector<16xf32>
    %swap3A_406 = vector.shape_cast %broadcast_in_dim3A_11 : vector<16xf32> to vector<16xf32>
    tpu.vector_store %arg15[%swap3A_403], %swap3A_406 {strides = array<i32>} : memref<640xf32, #tpu.memory_space<vmem>>, vector<16xf32>,
    %swap3A_407 = arith.constant 528 : index
    %swap3A_408 = tpu.vector_load %arg13[%swap3A_407] {strides = array<i32>} : memref<640xf32, #tpu.memory_space<vmem>>, vector<16xf32>,
    %swap3A_409 = vector.shape_cast %swap3A_408 : vector<16xf32> to vector<16xf32>
    %swap3A_410 = vector.shape_cast %broadcast_in_dim3A_9 : vector<16xf32> to vector<16xf32>
    tpu.vector_store %arg13[%swap3A_407], %swap3A_410 {strides = array<i32>} : memref<640xf32, #tpu.memory_space<vmem>>, vector<16xf32>,
    %swap3A_411 = arith.constant 528 : index
    %swap3A_412 = tpu.vector_load %arg14[%swap3A_411] {strides = array<i32>} : memref<640xf32, #tpu.memory_space<vmem>>, vector<16xf32>,
    %swap3A_413 = vector.shape_cast %swap3A_412 : vector<16xf32> to vector<16xf32>
    %swap3A_414 = vector.shape_cast %broadcast_in_dim3A_11 : vector<16xf32> to vector<16xf32>
    tpu.vector_store %arg14[%swap3A_411], %swap3A_414 {strides = array<i32>} : memref<640xf32, #tpu.memory_space<vmem>>, vector<16xf32>,
    %swap3A_415 = arith.constant 528 : index
    %swap3A_416 = tpu.vector_load %arg15[%swap3A_415] {strides = array<i32>} : memref<640xf32, #tpu.memory_space<vmem>>, vector<16xf32>,
    %swap3A_417 = vector.shape_cast %swap3A_416 : vector<16xf32> to vector<16xf32>
    %swap3A_418 = vector.shape_cast %broadcast_in_dim3A_11 : vector<16xf32> to vector<16xf32>
    tpu.vector_store %arg15[%swap3A_415], %swap3A_418 {strides = array<i32>} : memref<640xf32, #tpu.memory_space<vmem>>, vector<16xf32>,
    %swap3A_419 = arith.constant 544 : index
    %swap3A_420 = tpu.vector_load %arg13[%swap3A_419] {strides = array<i32>} : memref<640xf32, #tpu.memory_space<vmem>>, vector<16xf32>,
    %swap3A_421 = vector.shape_cast %swap3A_420 : vector<16xf32> to vector<16xf32>
    %swap3A_422 = vector.shape_cast %broadcast_in_dim3A_9 : vector<16xf32> to vector<16xf32>
    tpu.vector_store %arg13[%swap3A_419], %swap3A_422 {strides = array<i32>} : memref<640xf32, #tpu.memory_space<vmem>>, vector<16xf32>,
    %swap3A_423 = arith.constant 544 : index
    %swap3A_424 = tpu.vector_load %arg14[%swap3A_423] {strides = array<i32>} : memref<640xf32, #tpu.memory_space<vmem>>, vector<16xf32>,
    %swap3A_425 = vector.shape_cast %swap3A_424 : vector<16xf32> to vector<16xf32>
    %swap3A_426 = vector.shape_cast %broadcast_in_dim3A_11 : vector<16xf32> to vector<16xf32>
    tpu.vector_store %arg14[%swap3A_423], %swap3A_426 {strides = array<i32>} : memref<640xf32, #tpu.memory_space<vmem>>, vector<16xf32>,
    %swap3A_427 = arith.constant 544 : index
    %swap3A_428 = tpu.vector_load %arg15[%swap3A_427] {strides = array<i32>} : memref<640xf32, #tpu.memory_space<vmem>>, vector<16xf32>,
    %swap3A_429 = vector.shape_cast %swap3A_428 : vector<16xf32> to vector<16xf32>
    %swap3A_430 = vector.shape_cast %broadcast_in_dim3A_11 : vector<16xf32> to vector<16xf32>
    tpu.vector_store %arg15[%swap3A_427], %swap3A_430 {strides = array<i32>} : memref<640xf32, #tpu.memory_space<vmem>>, vector<16xf32>,
    %swap3A_431 = arith.constant 560 : index
    %swap3A_432 = tpu.vector_load %arg13[%swap3A_431] {strides = array<i32>} : memref<640xf32, #tpu.memory_space<vmem>>, vector<16xf32>,
    %swap3A_433 = vector.shape_cast %swap3A_432 : vector<16xf32> to vector<16xf32>
    %swap3A_434 = vector.shape_cast %broadcast_in_dim3A_9 : vector<16xf32> to vector<16xf32>
    tpu.vector_store %arg13[%swap3A_431], %swap3A_434 {strides = array<i32>} : memref<640xf32, #tpu.memory_space<vmem>>, vector<16xf32>,
    %swap3A_435 = arith.constant 560 : index
    %swap3A_436 = tpu.vector_load %arg14[%swap3A_435] {strides = array<i32>} : memref<640xf32, #tpu.memory_space<vmem>>, vector<16xf32>,
    %swap3A_437 = vector.shape_cast %swap3A_436 : vector<16xf32> to vector<16xf32>
    %swap3A_438 = vector.shape_cast %broadcast_in_dim3A_11 : vector<16xf32> to vector<16xf32>
    tpu.vector_store %arg14[%swap3A_435], %swap3A_438 {strides = array<i32>} : memref<640xf32, #tpu.memory_space<vmem>>, vector<16xf32>,
    %swap3A_439 = arith.constant 560 : index
    %swap3A_440 = tpu.vector_load %arg15[%swap3A_439] {strides = array<i32>} : memref<640xf32, #tpu.memory_space<vmem>>, vector<16xf32>,
    %swap3A_441 = vector.shape_cast %swap3A_440 : vector<16xf32> to vector<16xf32>
    %swap3A_442 = vector.shape_cast %broadcast_in_dim3A_11 : vector<16xf32> to vector<16xf32>
    tpu.vector_store %arg15[%swap3A_439], %swap3A_442 {strides = array<i32>} : memref<640xf32, #tpu.memory_space<vmem>>, vector<16xf32>,
    %swap3A_443 = arith.constant 576 : index
    %swap3A_444 = tpu.vector_load %arg13[%swap3A_443] {strides = array<i32>} : memref<640xf32, #tpu.memory_space<vmem>>, vector<16xf32>,
    %swap3A_445 = vector.shape_cast %swap3A_444 : vector<16xf32> to vector<16xf32>
    %swap3A_446 = vector.shape_cast %broadcast_in_dim3A_9 : vector<16xf32> to vector<16xf32>
    tpu.vector_store %arg13[%swap3A_443], %swap3A_446 {strides = array<i32>} : memref<640xf32, #tpu.memory_space<vmem>>, vector<16xf32>,
    %swap3A_447 = arith.constant 576 : index
    %swap3A_448 = tpu.vector_load %arg14[%swap3A_447] {strides = array<i32>} : memref<640xf32, #tpu.memory_space<vmem>>, vector<16xf32>,
    %swap3A_449 = vector.shape_cast %swap3A_448 : vector<16xf32> to vector<16xf32>
    %swap3A_450 = vector.shape_cast %broadcast_in_dim3A_11 : vector<16xf32> to vector<16xf32>
    tpu.vector_store %arg14[%swap3A_447], %swap3A_450 {strides = array<i32>} : memref<640xf32, #tpu.memory_space<vmem>>, vector<16xf32>,
    %swap3A_451 = arith.constant 576 : index
    %swap3A_452 = tpu.vector_load %arg15[%swap3A_451] {strides = array<i32>} : memref<640xf32, #tpu.memory_space<vmem>>, vector<16xf32>,
    %swap3A_453 = vector.shape_cast %swap3A_452 : vector<16xf32> to vector<16xf32>
    %swap3A_454 = vector.shape_cast %broadcast_in_dim3A_11 : vector<16xf32> to vector<16xf32>
    tpu.vector_store %arg15[%swap3A_451], %swap3A_454 {strides = array<i32>} : memref<640xf32, #tpu.memory_space<vmem>>, vector<16xf32>,
    %swap3A_455 = arith.constant 592 : index
    %swap3A_456 = tpu.vector_load %arg13[%swap3A_455] {strides = array<i32>} : memref<640xf32, #tpu.memory_space<vmem>>, vector<16xf32>,
    %swap3A_457 = vector.shape_cast %swap3A_456 : vector<16xf32> to vector<16xf32>
    %swap3A_458 = vector.shape_cast %broadcast_in_dim3A_9 : vector<16xf32> to vector<16xf32>
    tpu.vector_store %arg13[%swap3A_455], %swap3A_458 {strides = array<i32>} : memref<640xf32, #tpu.memory_space<vmem>>, vector<16xf32>,
    %swap3A_459 = arith.constant 592 : index
    %swap3A_460 = tpu.vector_load %arg14[%swap3A_459] {strides = array<i32>} : memref<640xf32, #tpu.memory_space<vmem>>, vector<16xf32>,
    %swap3A_461 = vector.shape_cast %swap3A_460 : vector<16xf32> to vector<16xf32>
    %swap3A_462 = vector.shape_cast %broadcast_in_dim3A_11 : vector<16xf32> to vector<16xf32>
    tpu.vector_store %arg14[%swap3A_459], %swap3A_462 {strides = array<i32>} : memref<640xf32, #tpu.memory_space<vmem>>, vector<16xf32>,
    %swap3A_463 = arith.constant 592 : index
    %swap3A_464 = tpu.vector_load %arg15[%swap3A_463] {strides = array<i32>} : memref<640xf32, #tpu.memory_space<vmem>>, vector<16xf32>,
    %swap3A_465 = vector.shape_cast %swap3A_464 : vector<16xf32> to vector<16xf32>
    %swap3A_466 = vector.shape_cast %broadcast_in_dim3A_11 : vector<16xf32> to vector<16xf32>
    tpu.vector_store %arg15[%swap3A_463], %swap3A_466 {strides = array<i32>} : memref<640xf32, #tpu.memory_space<vmem>>, vector<16xf32>,
    %swap3A_467 = arith.constant 608 : index
    %swap3A_468 = tpu.vector_load %arg13[%swap3A_467] {strides = array<i32>} : memref<640xf32, #tpu.memory_space<vmem>>, vector<16xf32>,
    %swap3A_469 = vector.shape_cast %swap3A_468 : vector<16xf32> to vector<16xf32>
    %swap3A_470 = vector.shape_cast %broadcast_in_dim3A_9 : vector<16xf32> to vector<16xf32>
    tpu.vector_store %arg13[%swap3A_467], %swap3A_470 {strides = array<i32>} : memref<640xf32, #tpu.memory_space<vmem>>, vector<16xf32>,
    %swap3A_471 = arith.constant 608 : index
    %swap3A_472 = tpu.vector_load %arg14[%swap3A_471] {strides = array<i32>} : memref<640xf32, #tpu.memory_space<vmem>>, vector<16xf32>,
    %swap3A_473 = vector.shape_cast %swap3A_472 : vector<16xf32> to vector<16xf32>
    %swap3A_474 = vector.shape_cast %broadcast_in_dim3A_11 : vector<16xf32> to vector<16xf32>
    tpu.vector_store %arg14[%swap3A_471], %swap3A_474 {strides = array<i32>} : memref<640xf32, #tpu.memory_space<vmem>>, vector<16xf32>,
    %swap3A_475 = arith.constant 608 : index
    %swap3A_476 = tpu.vector_load %arg15[%swap3A_475] {strides = array<i32>} : memref<640xf32, #tpu.memory_space<vmem>>, vector<16xf32>,
    %swap3A_477 = vector.shape_cast %swap3A_476 : vector<16xf32> to vector<16xf32>
    %swap3A_478 = vector.shape_cast %broadcast_in_dim3A_11 : vector<16xf32> to vector<16xf32>
    tpu.vector_store %arg15[%swap3A_475], %swap3A_478 {strides = array<i32>} : memref<640xf32, #tpu.memory_space<vmem>>, vector<16xf32>,
    %swap3A_479 = arith.constant 624 : index
    %swap3A_480 = tpu.vector_load %arg13[%swap3A_479] {strides = array<i32>} : memref<640xf32, #tpu.memory_space<vmem>>, vector<16xf32>,
    %swap3A_481 = vector.shape_cast %swap3A_480 : vector<16xf32> to vector<16xf32>
    %swap3A_482 = vector.shape_cast %broadcast_in_dim3A_9 : vector<16xf32> to vector<16xf32>
    tpu.vector_store %arg13[%swap3A_479], %swap3A_482 {strides = array<i32>} : memref<640xf32, #tpu.memory_space<vmem>>, vector<16xf32>,
    %swap3A_483 = arith.constant 624 : index
    %swap3A_484 = tpu.vector_load %arg14[%swap3A_483] {strides = array<i32>} : memref<640xf32, #tpu.memory_space<vmem>>, vector<16xf32>,
    %swap3A_485 = vector.shape_cast %swap3A_484 : vector<16xf32> to vector<16xf32>
    %swap3A_486 = vector.shape_cast %broadcast_in_dim3A_11 : vector<16xf32> to vector<16xf32>
    tpu.vector_store %arg14[%swap3A_483], %swap3A_486 {strides = array<i32>} : memref<640xf32, #tpu.memory_space<vmem>>, vector<16xf32>,
    %swap3A_487 = arith.constant 624 : index
    %swap3A_488 = tpu.vector_load %arg15[%swap3A_487] {strides = array<i32>} : memref<640xf32, #tpu.memory_space<vmem>>, vector<16xf32>,
    %swap3A_489 = vector.shape_cast %swap3A_488 : vector<16xf32> to vector<16xf32>
    %swap3A_490 = vector.shape_cast %broadcast_in_dim3A_11 : vector<16xf32> to vector<16xf32>
    tpu.vector_store %arg15[%swap3A_487], %swap3A_490 {strides = array<i32>} : memref<640xf32, #tpu.memory_space<vmem>>, vector<16xf32>,
    %eq3A_491 = arith.constant 31 : i32
    %eq3A_492 = arith.cmpi eq, %add3A, %eq3A_491 : i32
    %jit3A = arith.constant 10 : i32
    %jit3A_493 = arith.constant 40 : i32
    %select_n3A = arith.select %eq3A_492, %jit3A, %jit3A_493 : i32
    %iota3A = tpu.iota {dimensions = array<i32: 0>} : vector<16xi32>
    %xor3A = arith.constant 8 : i32
    %xor3A_494 = vector.broadcast %xor3A : i32 to vector<16xi32>
    %xor3A_495 = arith.xori %iota3A, %xor3A_494 : vector<16xi32>
    %xor3A_496 = arith.constant 4 : i32
    %xor3A_497 = vector.broadcast %xor3A_496 : i32 to vector<16xi32>
    %xor3A_498 = arith.xori %iota3A, %xor3A_497 : vector<16xi32>
    %xor3A_499 = arith.constant 2 : i32
    %xor3A_500 = vector.broadcast %xor3A_499 : i32 to vector<16xi32>
    %xor3A_501 = arith.xori %iota3A, %xor3A_500 : vector<16xi32>
    %xor3A_502 = arith.constant 1 : i32
    %xor3A_503 = vector.broadcast %xor3A_502 : i32 to vector<16xi32>
    %xor3A_504 = arith.xori %iota3A, %xor3A_503 : vector<16xi32>
    %lt3A_505 = arith.constant 1 : i32
    %lt3A_506 = vector.broadcast %lt3A_505 : i32 to vector<16xi32>
    %lt3A_507 = arith.cmpi slt, %iota3A, %lt3A_506 : vector<16xi32>
    %lt3A_508 = arith.constant 4 : i32
    %lt3A_509 = vector.broadcast %lt3A_508 : i32 to vector<16xi32>
    %lt3A_510 = arith.cmpi slt, %iota3A, %lt3A_509 : vector<16xi32>
    "tpu.region"() ({
      %run_scoped3A = tpu.sem_alloc : memref<!tpu.dma_semaphore, #tpu.memory_space<semaphore_mem>>
      %dma_start3A = arith.constant 0 : i32
      %dma_start3A_511 = tpu.memref_slice %arg6[%add3A, %dma_start3A] : memref<32x640xf32, #tpu.memory_space<hbm>> -> memref<1x640xf32, #tpu.memory_space<hbm>>
      %dma_start3A_512 = tpu.memref_squeeze %dma_start3A_511 : memref<1x640xf32, #tpu.memory_space<hbm>> -> memref<640xf32, #tpu.memory_space<hbm>>
      %dma_start3A_513 = arith.constant 0 : i32
      %dma_start3A_514 = tpu.memref_slice %arg6[%add3A, %dma_start3A_513] : memref<32x640xf32, #tpu.memory_space<hbm>> -> memref<1x640xf32, #tpu.memory_space<hbm>>
      %dma_start3A_515 = tpu.memref_squeeze %dma_start3A_514 : memref<1x640xf32, #tpu.memory_space<hbm>> -> memref<640xf32, #tpu.memory_space<hbm>>
      tpu.enqueue_dma source(%arg13 : memref<640xf32, #tpu.memory_space<vmem>>) target(%dma_start3A_515 : memref<640xf32, #tpu.memory_space<hbm>>) target_semaphore(%run_scoped3A : memref<!tpu.dma_semaphore, #tpu.memory_space<semaphore_mem>>)
      %dma_wait3A = arith.constant 0 : i32
      %dma_wait3A_516 = tpu.memref_slice %arg6[%add3A, %dma_wait3A] : memref<32x640xf32, #tpu.memory_space<hbm>> -> memref<1x640xf32, #tpu.memory_space<hbm>>
      %dma_wait3A_517 = tpu.memref_squeeze %dma_wait3A_516 : memref<1x640xf32, #tpu.memory_space<hbm>> -> memref<640xf32, #tpu.memory_space<hbm>>
      %dma_wait3A_518 = arith.constant 0 : i32
      %dma_wait3A_519 = tpu.memref_slice %arg6[%add3A, %dma_wait3A_518] : memref<32x640xf32, #tpu.memory_space<hbm>> -> memref<1x640xf32, #tpu.memory_space<hbm>>
      %dma_wait3A_520 = tpu.memref_squeeze %dma_wait3A_519 : memref<1x640xf32, #tpu.memory_space<hbm>> -> memref<640xf32, #tpu.memory_space<hbm>>
      tpu.wait_dma2 semaphore(%run_scoped3A : memref<!tpu.dma_semaphore, #tpu.memory_space<semaphore_mem>>) src(%arg13 : memref<640xf32, #tpu.memory_space<vmem>>) dst(%dma_wait3A_520 : memref<640xf32, #tpu.memory_space<hbm>>)
      tpu.yield
    }) : () -> ()
    "tpu.region"() ({
      %run_scoped3A = tpu.sem_alloc : memref<!tpu.dma_semaphore, #tpu.memory_space<semaphore_mem>>
      %dma_start3A = arith.constant 0 : i32
      %dma_start3A_511 = tpu.memref_slice %arg7[%add3A, %dma_start3A] : memref<32x640xf32, #tpu.memory_space<hbm>> -> memref<1x640xf32, #tpu.memory_space<hbm>>
      %dma_start3A_512 = tpu.memref_squeeze %dma_start3A_511 : memref<1x640xf32, #tpu.memory_space<hbm>> -> memref<640xf32, #tpu.memory_space<hbm>>
      %dma_start3A_513 = arith.constant 0 : i32
      %dma_start3A_514 = tpu.memref_slice %arg7[%add3A, %dma_start3A_513] : memref<32x640xf32, #tpu.memory_space<hbm>> -> memref<1x640xf32, #tpu.memory_space<hbm>>
      %dma_start3A_515 = tpu.memref_squeeze %dma_start3A_514 : memref<1x640xf32, #tpu.memory_space<hbm>> -> memref<640xf32, #tpu.memory_space<hbm>>
      tpu.enqueue_dma source(%arg14 : memref<640xf32, #tpu.memory_space<vmem>>) target(%dma_start3A_515 : memref<640xf32, #tpu.memory_space<hbm>>) target_semaphore(%run_scoped3A : memref<!tpu.dma_semaphore, #tpu.memory_space<semaphore_mem>>)
      %dma_wait3A = arith.constant 0 : i32
      %dma_wait3A_516 = tpu.memref_slice %arg7[%add3A, %dma_wait3A] : memref<32x640xf32, #tpu.memory_space<hbm>> -> memref<1x640xf32, #tpu.memory_space<hbm>>
      %dma_wait3A_517 = tpu.memref_squeeze %dma_wait3A_516 : memref<1x640xf32, #tpu.memory_space<hbm>> -> memref<640xf32, #tpu.memory_space<hbm>>
      %dma_wait3A_518 = arith.constant 0 : i32
      %dma_wait3A_519 = tpu.memref_slice %arg7[%add3A, %dma_wait3A_518] : memref<32x640xf32, #tpu.memory_space<hbm>> -> memref<1x640xf32, #tpu.memory_space<hbm>>
      %dma_wait3A_520 = tpu.memref_squeeze %dma_wait3A_519 : memref<1x640xf32, #tpu.memory_space<hbm>> -> memref<640xf32, #tpu.memory_space<hbm>>
      tpu.wait_dma2 semaphore(%run_scoped3A : memref<!tpu.dma_semaphore, #tpu.memory_space<semaphore_mem>>) src(%arg14 : memref<640xf32, #tpu.memory_space<vmem>>) dst(%dma_wait3A_520 : memref<640xf32, #tpu.memory_space<hbm>>)
      tpu.yield
    }) : () -> ()
    "tpu.region"() ({
      %run_scoped3A = tpu.sem_alloc : memref<!tpu.dma_semaphore, #tpu.memory_space<semaphore_mem>>
      %dma_start3A = arith.constant 0 : i32
      %dma_start3A_511 = tpu.memref_slice %arg8[%add3A, %dma_start3A] : memref<32x640xf32, #tpu.memory_space<hbm>> -> memref<1x640xf32, #tpu.memory_space<hbm>>
      %dma_start3A_512 = tpu.memref_squeeze %dma_start3A_511 : memref<1x640xf32, #tpu.memory_space<hbm>> -> memref<640xf32, #tpu.memory_space<hbm>>
      %dma_start3A_513 = arith.constant 0 : i32
      %dma_start3A_514 = tpu.memref_slice %arg8[%add3A, %dma_start3A_513] : memref<32x640xf32, #tpu.memory_space<hbm>> -> memref<1x640xf32, #tpu.memory_space<hbm>>
      %dma_start3A_515 = tpu.memref_squeeze %dma_start3A_514 : memref<1x640xf32, #tpu.memory_space<hbm>> -> memref<640xf32, #tpu.memory_space<hbm>>
      tpu.enqueue_dma source(%arg15 : memref<640xf32, #tpu.memory_space<vmem>>) target(%dma_start3A_515 : memref<640xf32, #tpu.memory_space<hbm>>) target_semaphore(%run_scoped3A : memref<!tpu.dma_semaphore, #tpu.memory_space<semaphore_mem>>)
      %dma_wait3A = arith.constant 0 : i32
      %dma_wait3A_516 = tpu.memref_slice %arg8[%add3A, %dma_wait3A] : memref<32x640xf32, #tpu.memory_space<hbm>> -> memref<1x640xf32, #tpu.memory_space<hbm>>
      %dma_wait3A_517 = tpu.memref_squeeze %dma_wait3A_516 : memref<1x640xf32, #tpu.memory_space<hbm>> -> memref<640xf32, #tpu.memory_space<hbm>>
      %dma_wait3A_518 = arith.constant 0 : i32
      %dma_wait3A_519 = tpu.memref_slice %arg8[%add3A, %dma_wait3A_518] : memref<32x640xf32, #tpu.memory_space<hbm>> -> memref<1x640xf32, #tpu.memory_space<hbm>>
      %dma_wait3A_520 = tpu.memref_squeeze %dma_wait3A_519 : memref<1x640xf32, #tpu.memory_space<hbm>> -> memref<640xf32, #tpu.memory_space<hbm>>
      tpu.wait_dma2 semaphore(%run_scoped3A : memref<!tpu.dma_semaphore, #tpu.memory_space<semaphore_mem>>) src(%arg15 : memref<640xf32, #tpu.memory_space<vmem>>) dst(%dma_wait3A_520 : memref<640xf32, #tpu.memory_space<hbm>>)
      tpu.yield
    }) : () -> ()
    return
  }
}

module attributes {stable_mosaic.version = 14 : i64} {
  func.func @_tc_select(%arg0: memref<32x640xf32, #tpu.memory_space<vmem>>, %arg1: memref<32x640xf32, #tpu.memory_space<vmem>>, %arg2: memref<32x640xf32, #tpu.memory_space<vmem>>, %arg3: memref<1x1xf32, #tpu.memory_space<vmem>>, %arg4: memref<1x1xf32, #tpu.memory_space<vmem>>) attributes {dimension_semantics = [], scalar_prefetch = 0 : i64, scratch_operands = 0 : i64, tpu.core_type = #tpu.core_type<tc>} {
    %get3A = arith.constant 0 : index
    %get3A_0 = arith.constant 0 : index
    %get3A_1 = vector.load %arg0[%get3A, %get3A_0] : memref<32x640xf32, #tpu.memory_space<vmem>>, vector<32x640xf32>
    %log3A = math.log %get3A_1 : vector<32x640xf32>
    %get3A_2 = arith.constant 0 : index
    %get3A_3 = arith.constant 0 : index
    %get3A_4 = vector.load %arg1[%get3A_2, %get3A_3] : memref<32x640xf32, #tpu.memory_space<vmem>>, vector<32x640xf32>
    %sub3A = arith.subf %log3A, %get3A_4 : vector<32x640xf32>
    %get3A_5 = arith.constant 0 : index
    %get3A_6 = arith.constant 0 : index
    %get3A_7 = vector.load %arg2[%get3A_5, %get3A_6] : memref<32x640xf32, #tpu.memory_space<vmem>>, vector<32x640xf32>
    %add3A = arith.addf %sub3A, %get3A_7 : vector<32x640xf32>
    %bitcast_convert_type3A = tpu.bitcast %add3A : vector<32x640xf32> -> vector<32x640xi32>
    %or3A = arith.constant 0 : i32
    %or3A_8 = arith.constant 1073741824 : i32
    %or3A_9 = arith.ori %or3A, %or3A_8 : i32
    %ge3A = vector.broadcast %or3A_9 : i32 to vector<32x640xi32>
    %ge3A_10 = arith.cmpi sge, %bitcast_convert_type3A, %ge3A : vector<32x640xi32>
    %convert_element_type3A = arith.extui %ge3A_10 : vector<32x640xi1> to vector<32x640xi32>
    %reduce_sum3A = vector.shape_cast %convert_element_type3A : vector<32x640xi32> to vector<1x32x640xi32>
    %reduce_sum3A_11 = arith.constant dense<0> : vector<1xi32>
    %reduce_sum3A_12 = vector.multi_reduction <add>, %reduce_sum3A, %reduce_sum3A_11 [1, 2] : vector<1x32x640xi32> to vector<1xi32>
    %reduce_sum3A_13 = vector.shape_cast %reduce_sum3A_12 : vector<1xi32> to vector<1x1x1xi32>
    %reduce_sum3A_14 = vector.extract %reduce_sum3A_13[0, 0, 0] : i32 from vector<1x1x1xi32>
    %or3A_15 = arith.constant 0 : i32
    %or3A_16 = arith.constant 536870912 : i32
    %or3A_17 = arith.ori %or3A_15, %or3A_16 : i32
    %ge3A_18 = vector.broadcast %or3A_17 : i32 to vector<32x640xi32>
    %ge3A_19 = arith.cmpi sge, %bitcast_convert_type3A, %ge3A_18 : vector<32x640xi32>
    %convert_element_type3A_20 = arith.extui %ge3A_19 : vector<32x640xi1> to vector<32x640xi32>
    %reduce_sum3A_21 = vector.shape_cast %convert_element_type3A_20 : vector<32x640xi32> to vector<1x32x640xi32>
    %reduce_sum3A_22 = arith.constant dense<0> : vector<1xi32>
    %reduce_sum3A_23 = vector.multi_reduction <add>, %reduce_sum3A_21, %reduce_sum3A_22 [1, 2] : vector<1x32x640xi32> to vector<1xi32>
    %reduce_sum3A_24 = vector.shape_cast %reduce_sum3A_23 : vector<1xi32> to vector<1x1x1xi32>
    %reduce_sum3A_25 = vector.extract %reduce_sum3A_24[0, 0, 0] : i32 from vector<1x1x1xi32>
    %or3A_26 = arith.constant 0 : i32
    %or3A_27 = arith.constant 1073741824 : i32
    %or3A_28 = arith.ori %or3A_26, %or3A_27 : i32
    %or3A_29 = arith.constant 536870912 : i32
    %or3A_30 = arith.ori %or3A_28, %or3A_29 : i32
    %ge3A_31 = vector.broadcast %or3A_30 : i32 to vector<32x640xi32>
    %ge3A_32 = arith.cmpi sge, %bitcast_convert_type3A, %ge3A_31 : vector<32x640xi32>
    %convert_element_type3A_33 = arith.extui %ge3A_32 : vector<32x640xi1> to vector<32x640xi32>
    %reduce_sum3A_34 = vector.shape_cast %convert_element_type3A_33 : vector<32x640xi32> to vector<1x32x640xi32>
    %reduce_sum3A_35 = arith.constant dense<0> : vector<1xi32>
    %reduce_sum3A_36 = vector.multi_reduction <add>, %reduce_sum3A_34, %reduce_sum3A_35 [1, 2] : vector<1x32x640xi32> to vector<1xi32>
    %reduce_sum3A_37 = vector.shape_cast %reduce_sum3A_36 : vector<1xi32> to vector<1x1x1xi32>
    %reduce_sum3A_38 = vector.extract %reduce_sum3A_37[0, 0, 0] : i32 from vector<1x1x1xi32>
    %ge3A_39 = arith.constant 512 : i32
    %ge3A_40 = arith.cmpi sge, %reduce_sum3A_14, %ge3A_39 : i32
    %ge3A_41 = arith.constant 512 : i32
    %ge3A_42 = arith.cmpi sge, %reduce_sum3A_38, %ge3A_41 : i32
    %or3A_43 = arith.constant 0 : i32
    %or3A_44 = arith.constant 1073741824 : i32
    %or3A_45 = arith.ori %or3A_43, %or3A_44 : i32
    %or3A_46 = arith.constant 536870912 : i32
    %or3A_47 = arith.ori %or3A_45, %or3A_46 : i32
    %or3A_48 = arith.constant 0 : i32
    %or3A_49 = arith.constant 1073741824 : i32
    %or3A_50 = arith.ori %or3A_48, %or3A_49 : i32
    %select_n3A = arith.select %ge3A_42, %or3A_47, %or3A_50 : i32
    %ge3A_51 = arith.constant 512 : i32
    %ge3A_52 = arith.cmpi sge, %reduce_sum3A_25, %ge3A_51 : i32
    %or3A_53 = arith.constant 0 : i32
    %or3A_54 = arith.constant 536870912 : i32
    %or3A_55 = arith.ori %or3A_53, %or3A_54 : i32
    %jit3A = arith.constant 0 : i32
    %select_n3A_56 = arith.select %ge3A_52, %or3A_55, %jit3A : i32
    %select_n3A_57 = arith.select %ge3A_40, %select_n3A, %select_n3A_56 : i32
    %or3A_58 = arith.constant 268435456 : i32
    %or3A_59 = arith.ori %select_n3A_57, %or3A_58 : i32
    %ge3A_60 = vector.broadcast %or3A_59 : i32 to vector<32x640xi32>
    %ge3A_61 = arith.cmpi sge, %bitcast_convert_type3A, %ge3A_60 : vector<32x640xi32>
    %convert_element_type3A_62 = arith.extui %ge3A_61 : vector<32x640xi1> to vector<32x640xi32>
    %reduce_sum3A_63 = vector.shape_cast %convert_element_type3A_62 : vector<32x640xi32> to vector<1x32x640xi32>
    %reduce_sum3A_64 = arith.constant dense<0> : vector<1xi32>
    %reduce_sum3A_65 = vector.multi_reduction <add>, %reduce_sum3A_63, %reduce_sum3A_64 [1, 2] : vector<1x32x640xi32> to vector<1xi32>
    %reduce_sum3A_66 = vector.shape_cast %reduce_sum3A_65 : vector<1xi32> to vector<1x1x1xi32>
    %reduce_sum3A_67 = vector.extract %reduce_sum3A_66[0, 0, 0] : i32 from vector<1x1x1xi32>
    %or3A_68 = arith.constant 134217728 : i32
    %or3A_69 = arith.ori %select_n3A_57, %or3A_68 : i32
    %ge3A_70 = vector.broadcast %or3A_69 : i32 to vector<32x640xi32>
    %ge3A_71 = arith.cmpi sge, %bitcast_convert_type3A, %ge3A_70 : vector<32x640xi32>
    %convert_element_type3A_72 = arith.extui %ge3A_71 : vector<32x640xi1> to vector<32x640xi32>
    %reduce_sum3A_73 = vector.shape_cast %convert_element_type3A_72 : vector<32x640xi32> to vector<1x32x640xi32>
    %reduce_sum3A_74 = arith.constant dense<0> : vector<1xi32>
    %reduce_sum3A_75 = vector.multi_reduction <add>, %reduce_sum3A_73, %reduce_sum3A_74 [1, 2] : vector<1x32x640xi32> to vector<1xi32>
    %reduce_sum3A_76 = vector.shape_cast %reduce_sum3A_75 : vector<1xi32> to vector<1x1x1xi32>
    %reduce_sum3A_77 = vector.extract %reduce_sum3A_76[0, 0, 0] : i32 from vector<1x1x1xi32>
    %or3A_78 = arith.constant 268435456 : i32
    %or3A_79 = arith.ori %select_n3A_57, %or3A_78 : i32
    %or3A_80 = arith.constant 134217728 : i32
    %or3A_81 = arith.ori %or3A_79, %or3A_80 : i32
    %ge3A_82 = vector.broadcast %or3A_81 : i32 to vector<32x640xi32>
    %ge3A_83 = arith.cmpi sge, %bitcast_convert_type3A, %ge3A_82 : vector<32x640xi32>
    %convert_element_type3A_84 = arith.extui %ge3A_83 : vector<32x640xi1> to vector<32x640xi32>
    %reduce_sum3A_85 = vector.shape_cast %convert_element_type3A_84 : vector<32x640xi32> to vector<1x32x640xi32>
    %reduce_sum3A_86 = arith.constant dense<0> : vector<1xi32>
    %reduce_sum3A_87 = vector.multi_reduction <add>, %reduce_sum3A_85, %reduce_sum3A_86 [1, 2] : vector<1x32x640xi32> to vector<1xi32>
    %reduce_sum3A_88 = vector.shape_cast %reduce_sum3A_87 : vector<1xi32> to vector<1x1x1xi32>
    %reduce_sum3A_89 = vector.extract %reduce_sum3A_88[0, 0, 0] : i32 from vector<1x1x1xi32>
    %ge3A_90 = arith.constant 512 : i32
    %ge3A_91 = arith.cmpi sge, %reduce_sum3A_67, %ge3A_90 : i32
    %ge3A_92 = arith.constant 512 : i32
    %ge3A_93 = arith.cmpi sge, %reduce_sum3A_89, %ge3A_92 : i32
    %or3A_94 = arith.constant 268435456 : i32
    %or3A_95 = arith.ori %select_n3A_57, %or3A_94 : i32
    %or3A_96 = arith.constant 134217728 : i32
    %or3A_97 = arith.ori %or3A_95, %or3A_96 : i32
    %or3A_98 = arith.constant 268435456 : i32
    %or3A_99 = arith.ori %select_n3A_57, %or3A_98 : i32
    %select_n3A_100 = arith.select %ge3A_93, %or3A_97, %or3A_99 : i32
    %ge3A_101 = arith.constant 512 : i32
    %ge3A_102 = arith.cmpi sge, %reduce_sum3A_77, %ge3A_101 : i32
    %or3A_103 = arith.constant 134217728 : i32
    %or3A_104 = arith.ori %select_n3A_57, %or3A_103 : i32
    %select_n3A_105 = arith.select %ge3A_102, %or3A_104, %select_n3A_57 : i32
    %select_n3A_106 = arith.select %ge3A_91, %select_n3A_100, %select_n3A_105 : i32
    %or3A_107 = arith.constant 67108864 : i32
    %or3A_108 = arith.ori %select_n3A_106, %or3A_107 : i32
    %ge3A_109 = vector.broadcast %or3A_108 : i32 to vector<32x640xi32>
    %ge3A_110 = arith.cmpi sge, %bitcast_convert_type3A, %ge3A_109 : vector<32x640xi32>
    %convert_element_type3A_111 = arith.extui %ge3A_110 : vector<32x640xi1> to vector<32x640xi32>
    %reduce_sum3A_112 = vector.shape_cast %convert_element_type3A_111 : vector<32x640xi32> to vector<1x32x640xi32>
    %reduce_sum3A_113 = arith.constant dense<0> : vector<1xi32>
    %reduce_sum3A_114 = vector.multi_reduction <add>, %reduce_sum3A_112, %reduce_sum3A_113 [1, 2] : vector<1x32x640xi32> to vector<1xi32>
    %reduce_sum3A_115 = vector.shape_cast %reduce_sum3A_114 : vector<1xi32> to vector<1x1x1xi32>
    %reduce_sum3A_116 = vector.extract %reduce_sum3A_115[0, 0, 0] : i32 from vector<1x1x1xi32>
    %or3A_117 = arith.constant 33554432 : i32
    %or3A_118 = arith.ori %select_n3A_106, %or3A_117 : i32
    %ge3A_119 = vector.broadcast %or3A_118 : i32 to vector<32x640xi32>
    %ge3A_120 = arith.cmpi sge, %bitcast_convert_type3A, %ge3A_119 : vector<32x640xi32>
    %convert_element_type3A_121 = arith.extui %ge3A_120 : vector<32x640xi1> to vector<32x640xi32>
    %reduce_sum3A_122 = vector.shape_cast %convert_element_type3A_121 : vector<32x640xi32> to vector<1x32x640xi32>
    %reduce_sum3A_123 = arith.constant dense<0> : vector<1xi32>
    %reduce_sum3A_124 = vector.multi_reduction <add>, %reduce_sum3A_122, %reduce_sum3A_123 [1, 2] : vector<1x32x640xi32> to vector<1xi32>
    %reduce_sum3A_125 = vector.shape_cast %reduce_sum3A_124 : vector<1xi32> to vector<1x1x1xi32>
    %reduce_sum3A_126 = vector.extract %reduce_sum3A_125[0, 0, 0] : i32 from vector<1x1x1xi32>
    %or3A_127 = arith.constant 67108864 : i32
    %or3A_128 = arith.ori %select_n3A_106, %or3A_127 : i32
    %or3A_129 = arith.constant 33554432 : i32
    %or3A_130 = arith.ori %or3A_128, %or3A_129 : i32
    %ge3A_131 = vector.broadcast %or3A_130 : i32 to vector<32x640xi32>
    %ge3A_132 = arith.cmpi sge, %bitcast_convert_type3A, %ge3A_131 : vector<32x640xi32>
    %convert_element_type3A_133 = arith.extui %ge3A_132 : vector<32x640xi1> to vector<32x640xi32>
    %reduce_sum3A_134 = vector.shape_cast %convert_element_type3A_133 : vector<32x640xi32> to vector<1x32x640xi32>
    %reduce_sum3A_135 = arith.constant dense<0> : vector<1xi32>
    %reduce_sum3A_136 = vector.multi_reduction <add>, %reduce_sum3A_134, %reduce_sum3A_135 [1, 2] : vector<1x32x640xi32> to vector<1xi32>
    %reduce_sum3A_137 = vector.shape_cast %reduce_sum3A_136 : vector<1xi32> to vector<1x1x1xi32>
    %reduce_sum3A_138 = vector.extract %reduce_sum3A_137[0, 0, 0] : i32 from vector<1x1x1xi32>
    %ge3A_139 = arith.constant 512 : i32
    %ge3A_140 = arith.cmpi sge, %reduce_sum3A_116, %ge3A_139 : i32
    %ge3A_141 = arith.constant 512 : i32
    %ge3A_142 = arith.cmpi sge, %reduce_sum3A_138, %ge3A_141 : i32
    %or3A_143 = arith.constant 67108864 : i32
    %or3A_144 = arith.ori %select_n3A_106, %or3A_143 : i32
    %or3A_145 = arith.constant 33554432 : i32
    %or3A_146 = arith.ori %or3A_144, %or3A_145 : i32
    %or3A_147 = arith.constant 67108864 : i32
    %or3A_148 = arith.ori %select_n3A_106, %or3A_147 : i32
    %select_n3A_149 = arith.select %ge3A_142, %or3A_146, %or3A_148 : i32
    %ge3A_150 = arith.constant 512 : i32
    %ge3A_151 = arith.cmpi sge, %reduce_sum3A_126, %ge3A_150 : i32
    %or3A_152 = arith.constant 33554432 : i32
    %or3A_153 = arith.ori %select_n3A_106, %or3A_152 : i32
    %select_n3A_154 = arith.select %ge3A_151, %or3A_153, %select_n3A_106 : i32
    %select_n3A_155 = arith.select %ge3A_140, %select_n3A_149, %select_n3A_154 : i32
    %or3A_156 = arith.constant 16777216 : i32
    %or3A_157 = arith.ori %select_n3A_155, %or3A_156 : i32
    %ge3A_158 = vector.broadcast %or3A_157 : i32 to vector<32x640xi32>
    %ge3A_159 = arith.cmpi sge, %bitcast_convert_type3A, %ge3A_158 : vector<32x640xi32>
    %convert_element_type3A_160 = arith.extui %ge3A_159 : vector<32x640xi1> to vector<32x640xi32>
    %reduce_sum3A_161 = vector.shape_cast %convert_element_type3A_160 : vector<32x640xi32> to vector<1x32x640xi32>
    %reduce_sum3A_162 = arith.constant dense<0> : vector<1xi32>
    %reduce_sum3A_163 = vector.multi_reduction <add>, %reduce_sum3A_161, %reduce_sum3A_162 [1, 2] : vector<1x32x640xi32> to vector<1xi32>
    %reduce_sum3A_164 = vector.shape_cast %reduce_sum3A_163 : vector<1xi32> to vector<1x1x1xi32>
    %reduce_sum3A_165 = vector.extract %reduce_sum3A_164[0, 0, 0] : i32 from vector<1x1x1xi32>
    %or3A_166 = arith.constant 8388608 : i32
    %or3A_167 = arith.ori %select_n3A_155, %or3A_166 : i32
    %ge3A_168 = vector.broadcast %or3A_167 : i32 to vector<32x640xi32>
    %ge3A_169 = arith.cmpi sge, %bitcast_convert_type3A, %ge3A_168 : vector<32x640xi32>
    %convert_element_type3A_170 = arith.extui %ge3A_169 : vector<32x640xi1> to vector<32x640xi32>
    %reduce_sum3A_171 = vector.shape_cast %convert_element_type3A_170 : vector<32x640xi32> to vector<1x32x640xi32>
    %reduce_sum3A_172 = arith.constant dense<0> : vector<1xi32>
    %reduce_sum3A_173 = vector.multi_reduction <add>, %reduce_sum3A_171, %reduce_sum3A_172 [1, 2] : vector<1x32x640xi32> to vector<1xi32>
    %reduce_sum3A_174 = vector.shape_cast %reduce_sum3A_173 : vector<1xi32> to vector<1x1x1xi32>
    %reduce_sum3A_175 = vector.extract %reduce_sum3A_174[0, 0, 0] : i32 from vector<1x1x1xi32>
    %or3A_176 = arith.constant 16777216 : i32
    %or3A_177 = arith.ori %select_n3A_155, %or3A_176 : i32
    %or3A_178 = arith.constant 8388608 : i32
    %or3A_179 = arith.ori %or3A_177, %or3A_178 : i32
    %ge3A_180 = vector.broadcast %or3A_179 : i32 to vector<32x640xi32>
    %ge3A_181 = arith.cmpi sge, %bitcast_convert_type3A, %ge3A_180 : vector<32x640xi32>
    %convert_element_type3A_182 = arith.extui %ge3A_181 : vector<32x640xi1> to vector<32x640xi32>
    %reduce_sum3A_183 = vector.shape_cast %convert_element_type3A_182 : vector<32x640xi32> to vector<1x32x640xi32>
    %reduce_sum3A_184 = arith.constant dense<0> : vector<1xi32>
    %reduce_sum3A_185 = vector.multi_reduction <add>, %reduce_sum3A_183, %reduce_sum3A_184 [1, 2] : vector<1x32x640xi32> to vector<1xi32>
    %reduce_sum3A_186 = vector.shape_cast %reduce_sum3A_185 : vector<1xi32> to vector<1x1x1xi32>
    %reduce_sum3A_187 = vector.extract %reduce_sum3A_186[0, 0, 0] : i32 from vector<1x1x1xi32>
    %ge3A_188 = arith.constant 512 : i32
    %ge3A_189 = arith.cmpi sge, %reduce_sum3A_165, %ge3A_188 : i32
    %ge3A_190 = arith.constant 512 : i32
    %ge3A_191 = arith.cmpi sge, %reduce_sum3A_187, %ge3A_190 : i32
    %or3A_192 = arith.constant 16777216 : i32
    %or3A_193 = arith.ori %select_n3A_155, %or3A_192 : i32
    %or3A_194 = arith.constant 8388608 : i32
    %or3A_195 = arith.ori %or3A_193, %or3A_194 : i32
    %or3A_196 = arith.constant 16777216 : i32
    %or3A_197 = arith.ori %select_n3A_155, %or3A_196 : i32
    %select_n3A_198 = arith.select %ge3A_191, %or3A_195, %or3A_197 : i32
    %ge3A_199 = arith.constant 512 : i32
    %ge3A_200 = arith.cmpi sge, %reduce_sum3A_175, %ge3A_199 : i32
    %or3A_201 = arith.constant 8388608 : i32
    %or3A_202 = arith.ori %select_n3A_155, %or3A_201 : i32
    %select_n3A_203 = arith.select %ge3A_200, %or3A_202, %select_n3A_155 : i32
    %select_n3A_204 = arith.select %ge3A_189, %select_n3A_198, %select_n3A_203 : i32
    %or3A_205 = arith.constant 4194304 : i32
    %or3A_206 = arith.ori %select_n3A_204, %or3A_205 : i32
    %ge3A_207 = vector.broadcast %or3A_206 : i32 to vector<32x640xi32>
    %ge3A_208 = arith.cmpi sge, %bitcast_convert_type3A, %ge3A_207 : vector<32x640xi32>
    %convert_element_type3A_209 = arith.extui %ge3A_208 : vector<32x640xi1> to vector<32x640xi32>
    %reduce_sum3A_210 = vector.shape_cast %convert_element_type3A_209 : vector<32x640xi32> to vector<1x32x640xi32>
    %reduce_sum3A_211 = arith.constant dense<0> : vector<1xi32>
    %reduce_sum3A_212 = vector.multi_reduction <add>, %reduce_sum3A_210, %reduce_sum3A_211 [1, 2] : vector<1x32x640xi32> to vector<1xi32>
    %reduce_sum3A_213 = vector.shape_cast %reduce_sum3A_212 : vector<1xi32> to vector<1x1x1xi32>
    %reduce_sum3A_214 = vector.extract %reduce_sum3A_213[0, 0, 0] : i32 from vector<1x1x1xi32>
    %or3A_215 = arith.constant 2097152 : i32
    %or3A_216 = arith.ori %select_n3A_204, %or3A_215 : i32
    %ge3A_217 = vector.broadcast %or3A_216 : i32 to vector<32x640xi32>
    %ge3A_218 = arith.cmpi sge, %bitcast_convert_type3A, %ge3A_217 : vector<32x640xi32>
    %convert_element_type3A_219 = arith.extui %ge3A_218 : vector<32x640xi1> to vector<32x640xi32>
    %reduce_sum3A_220 = vector.shape_cast %convert_element_type3A_219 : vector<32x640xi32> to vector<1x32x640xi32>
    %reduce_sum3A_221 = arith.constant dense<0> : vector<1xi32>
    %reduce_sum3A_222 = vector.multi_reduction <add>, %reduce_sum3A_220, %reduce_sum3A_221 [1, 2] : vector<1x32x640xi32> to vector<1xi32>
    %reduce_sum3A_223 = vector.shape_cast %reduce_sum3A_222 : vector<1xi32> to vector<1x1x1xi32>
    %reduce_sum3A_224 = vector.extract %reduce_sum3A_223[0, 0, 0] : i32 from vector<1x1x1xi32>
    %or3A_225 = arith.constant 4194304 : i32
    %or3A_226 = arith.ori %select_n3A_204, %or3A_225 : i32
    %or3A_227 = arith.constant 2097152 : i32
    %or3A_228 = arith.ori %or3A_226, %or3A_227 : i32
    %ge3A_229 = vector.broadcast %or3A_228 : i32 to vector<32x640xi32>
    %ge3A_230 = arith.cmpi sge, %bitcast_convert_type3A, %ge3A_229 : vector<32x640xi32>
    %convert_element_type3A_231 = arith.extui %ge3A_230 : vector<32x640xi1> to vector<32x640xi32>
    %reduce_sum3A_232 = vector.shape_cast %convert_element_type3A_231 : vector<32x640xi32> to vector<1x32x640xi32>
    %reduce_sum3A_233 = arith.constant dense<0> : vector<1xi32>
    %reduce_sum3A_234 = vector.multi_reduction <add>, %reduce_sum3A_232, %reduce_sum3A_233 [1, 2] : vector<1x32x640xi32> to vector<1xi32>
    %reduce_sum3A_235 = vector.shape_cast %reduce_sum3A_234 : vector<1xi32> to vector<1x1x1xi32>
    %reduce_sum3A_236 = vector.extract %reduce_sum3A_235[0, 0, 0] : i32 from vector<1x1x1xi32>
    %ge3A_237 = arith.constant 512 : i32
    %ge3A_238 = arith.cmpi sge, %reduce_sum3A_214, %ge3A_237 : i32
    %ge3A_239 = arith.constant 512 : i32
    %ge3A_240 = arith.cmpi sge, %reduce_sum3A_236, %ge3A_239 : i32
    %or3A_241 = arith.constant 4194304 : i32
    %or3A_242 = arith.ori %select_n3A_204, %or3A_241 : i32
    %or3A_243 = arith.constant 2097152 : i32
    %or3A_244 = arith.ori %or3A_242, %or3A_243 : i32
    %or3A_245 = arith.constant 4194304 : i32
    %or3A_246 = arith.ori %select_n3A_204, %or3A_245 : i32
    %select_n3A_247 = arith.select %ge3A_240, %or3A_244, %or3A_246 : i32
    %ge3A_248 = arith.constant 512 : i32
    %ge3A_249 = arith.cmpi sge, %reduce_sum3A_224, %ge3A_248 : i32
    %or3A_250 = arith.constant 2097152 : i32
    %or3A_251 = arith.ori %select_n3A_204, %or3A_250 : i32
    %select_n3A_252 = arith.select %ge3A_249, %or3A_251, %select_n3A_204 : i32
    %select_n3A_253 = arith.select %ge3A_238, %select_n3A_247, %select_n3A_252 : i32
    %or3A_254 = arith.constant 1048576 : i32
    %or3A_255 = arith.ori %select_n3A_253, %or3A_254 : i32
    %ge3A_256 = vector.broadcast %or3A_255 : i32 to vector<32x640xi32>
    %ge3A_257 = arith.cmpi sge, %bitcast_convert_type3A, %ge3A_256 : vector<32x640xi32>
    %convert_element_type3A_258 = arith.extui %ge3A_257 : vector<32x640xi1> to vector<32x640xi32>
    %reduce_sum3A_259 = vector.shape_cast %convert_element_type3A_258 : vector<32x640xi32> to vector<1x32x640xi32>
    %reduce_sum3A_260 = arith.constant dense<0> : vector<1xi32>
    %reduce_sum3A_261 = vector.multi_reduction <add>, %reduce_sum3A_259, %reduce_sum3A_260 [1, 2] : vector<1x32x640xi32> to vector<1xi32>
    %reduce_sum3A_262 = vector.shape_cast %reduce_sum3A_261 : vector<1xi32> to vector<1x1x1xi32>
    %reduce_sum3A_263 = vector.extract %reduce_sum3A_262[0, 0, 0] : i32 from vector<1x1x1xi32>
    %or3A_264 = arith.constant 524288 : i32
    %or3A_265 = arith.ori %select_n3A_253, %or3A_264 : i32
    %ge3A_266 = vector.broadcast %or3A_265 : i32 to vector<32x640xi32>
    %ge3A_267 = arith.cmpi sge, %bitcast_convert_type3A, %ge3A_266 : vector<32x640xi32>
    %convert_element_type3A_268 = arith.extui %ge3A_267 : vector<32x640xi1> to vector<32x640xi32>
    %reduce_sum3A_269 = vector.shape_cast %convert_element_type3A_268 : vector<32x640xi32> to vector<1x32x640xi32>
    %reduce_sum3A_270 = arith.constant dense<0> : vector<1xi32>
    %reduce_sum3A_271 = vector.multi_reduction <add>, %reduce_sum3A_269, %reduce_sum3A_270 [1, 2] : vector<1x32x640xi32> to vector<1xi32>
    %reduce_sum3A_272 = vector.shape_cast %reduce_sum3A_271 : vector<1xi32> to vector<1x1x1xi32>
    %reduce_sum3A_273 = vector.extract %reduce_sum3A_272[0, 0, 0] : i32 from vector<1x1x1xi32>
    %or3A_274 = arith.constant 1048576 : i32
    %or3A_275 = arith.ori %select_n3A_253, %or3A_274 : i32
    %or3A_276 = arith.constant 524288 : i32
    %or3A_277 = arith.ori %or3A_275, %or3A_276 : i32
    %ge3A_278 = vector.broadcast %or3A_277 : i32 to vector<32x640xi32>
    %ge3A_279 = arith.cmpi sge, %bitcast_convert_type3A, %ge3A_278 : vector<32x640xi32>
    %convert_element_type3A_280 = arith.extui %ge3A_279 : vector<32x640xi1> to vector<32x640xi32>
    %reduce_sum3A_281 = vector.shape_cast %convert_element_type3A_280 : vector<32x640xi32> to vector<1x32x640xi32>
    %reduce_sum3A_282 = arith.constant dense<0> : vector<1xi32>
    %reduce_sum3A_283 = vector.multi_reduction <add>, %reduce_sum3A_281, %reduce_sum3A_282 [1, 2] : vector<1x32x640xi32> to vector<1xi32>
    %reduce_sum3A_284 = vector.shape_cast %reduce_sum3A_283 : vector<1xi32> to vector<1x1x1xi32>
    %reduce_sum3A_285 = vector.extract %reduce_sum3A_284[0, 0, 0] : i32 from vector<1x1x1xi32>
    %ge3A_286 = arith.constant 512 : i32
    %ge3A_287 = arith.cmpi sge, %reduce_sum3A_263, %ge3A_286 : i32
    %ge3A_288 = arith.constant 512 : i32
    %ge3A_289 = arith.cmpi sge, %reduce_sum3A_285, %ge3A_288 : i32
    %or3A_290 = arith.constant 1048576 : i32
    %or3A_291 = arith.ori %select_n3A_253, %or3A_290 : i32
    %or3A_292 = arith.constant 524288 : i32
    %or3A_293 = arith.ori %or3A_291, %or3A_292 : i32
    %or3A_294 = arith.constant 1048576 : i32
    %or3A_295 = arith.ori %select_n3A_253, %or3A_294 : i32
    %select_n3A_296 = arith.select %ge3A_289, %or3A_293, %or3A_295 : i32
    %ge3A_297 = arith.constant 512 : i32
    %ge3A_298 = arith.cmpi sge, %reduce_sum3A_273, %ge3A_297 : i32
    %or3A_299 = arith.constant 524288 : i32
    %or3A_300 = arith.ori %select_n3A_253, %or3A_299 : i32
    %select_n3A_301 = arith.select %ge3A_298, %or3A_300, %select_n3A_253 : i32
    %select_n3A_302 = arith.select %ge3A_287, %select_n3A_296, %select_n3A_301 : i32
    %or3A_303 = arith.constant 262144 : i32
    %or3A_304 = arith.ori %select_n3A_302, %or3A_303 : i32
    %ge3A_305 = vector.broadcast %or3A_304 : i32 to vector<32x640xi32>
    %ge3A_306 = arith.cmpi sge, %bitcast_convert_type3A, %ge3A_305 : vector<32x640xi32>
    %convert_element_type3A_307 = arith.extui %ge3A_306 : vector<32x640xi1> to vector<32x640xi32>
    %reduce_sum3A_308 = vector.shape_cast %convert_element_type3A_307 : vector<32x640xi32> to vector<1x32x640xi32>
    %reduce_sum3A_309 = arith.constant dense<0> : vector<1xi32>
    %reduce_sum3A_310 = vector.multi_reduction <add>, %reduce_sum3A_308, %reduce_sum3A_309 [1, 2] : vector<1x32x640xi32> to vector<1xi32>
    %reduce_sum3A_311 = vector.shape_cast %reduce_sum3A_310 : vector<1xi32> to vector<1x1x1xi32>
    %reduce_sum3A_312 = vector.extract %reduce_sum3A_311[0, 0, 0] : i32 from vector<1x1x1xi32>
    %or3A_313 = arith.constant 131072 : i32
    %or3A_314 = arith.ori %select_n3A_302, %or3A_313 : i32
    %ge3A_315 = vector.broadcast %or3A_314 : i32 to vector<32x640xi32>
    %ge3A_316 = arith.cmpi sge, %bitcast_convert_type3A, %ge3A_315 : vector<32x640xi32>
    %convert_element_type3A_317 = arith.extui %ge3A_316 : vector<32x640xi1> to vector<32x640xi32>
    %reduce_sum3A_318 = vector.shape_cast %convert_element_type3A_317 : vector<32x640xi32> to vector<1x32x640xi32>
    %reduce_sum3A_319 = arith.constant dense<0> : vector<1xi32>
    %reduce_sum3A_320 = vector.multi_reduction <add>, %reduce_sum3A_318, %reduce_sum3A_319 [1, 2] : vector<1x32x640xi32> to vector<1xi32>
    %reduce_sum3A_321 = vector.shape_cast %reduce_sum3A_320 : vector<1xi32> to vector<1x1x1xi32>
    %reduce_sum3A_322 = vector.extract %reduce_sum3A_321[0, 0, 0] : i32 from vector<1x1x1xi32>
    %or3A_323 = arith.constant 262144 : i32
    %or3A_324 = arith.ori %select_n3A_302, %or3A_323 : i32
    %or3A_325 = arith.constant 131072 : i32
    %or3A_326 = arith.ori %or3A_324, %or3A_325 : i32
    %ge3A_327 = vector.broadcast %or3A_326 : i32 to vector<32x640xi32>
    %ge3A_328 = arith.cmpi sge, %bitcast_convert_type3A, %ge3A_327 : vector<32x640xi32>
    %convert_element_type3A_329 = arith.extui %ge3A_328 : vector<32x640xi1> to vector<32x640xi32>
    %reduce_sum3A_330 = vector.shape_cast %convert_element_type3A_329 : vector<32x640xi32> to vector<1x32x640xi32>
    %reduce_sum3A_331 = arith.constant dense<0> : vector<1xi32>
    %reduce_sum3A_332 = vector.multi_reduction <add>, %reduce_sum3A_330, %reduce_sum3A_331 [1, 2] : vector<1x32x640xi32> to vector<1xi32>
    %reduce_sum3A_333 = vector.shape_cast %reduce_sum3A_332 : vector<1xi32> to vector<1x1x1xi32>
    %reduce_sum3A_334 = vector.extract %reduce_sum3A_333[0, 0, 0] : i32 from vector<1x1x1xi32>
    %ge3A_335 = arith.constant 512 : i32
    %ge3A_336 = arith.cmpi sge, %reduce_sum3A_312, %ge3A_335 : i32
    %ge3A_337 = arith.constant 512 : i32
    %ge3A_338 = arith.cmpi sge, %reduce_sum3A_334, %ge3A_337 : i32
    %or3A_339 = arith.constant 262144 : i32
    %or3A_340 = arith.ori %select_n3A_302, %or3A_339 : i32
    %or3A_341 = arith.constant 131072 : i32
    %or3A_342 = arith.ori %or3A_340, %or3A_341 : i32
    %or3A_343 = arith.constant 262144 : i32
    %or3A_344 = arith.ori %select_n3A_302, %or3A_343 : i32
    %select_n3A_345 = arith.select %ge3A_338, %or3A_342, %or3A_344 : i32
    %ge3A_346 = arith.constant 512 : i32
    %ge3A_347 = arith.cmpi sge, %reduce_sum3A_322, %ge3A_346 : i32
    %or3A_348 = arith.constant 131072 : i32
    %or3A_349 = arith.ori %select_n3A_302, %or3A_348 : i32
    %select_n3A_350 = arith.select %ge3A_347, %or3A_349, %select_n3A_302 : i32
    %select_n3A_351 = arith.select %ge3A_336, %select_n3A_345, %select_n3A_350 : i32
    %or3A_352 = arith.constant 65536 : i32
    %or3A_353 = arith.ori %select_n3A_351, %or3A_352 : i32
    %ge3A_354 = vector.broadcast %or3A_353 : i32 to vector<32x640xi32>
    %ge3A_355 = arith.cmpi sge, %bitcast_convert_type3A, %ge3A_354 : vector<32x640xi32>
    %convert_element_type3A_356 = arith.extui %ge3A_355 : vector<32x640xi1> to vector<32x640xi32>
    %reduce_sum3A_357 = vector.shape_cast %convert_element_type3A_356 : vector<32x640xi32> to vector<1x32x640xi32>
    %reduce_sum3A_358 = arith.constant dense<0> : vector<1xi32>
    %reduce_sum3A_359 = vector.multi_reduction <add>, %reduce_sum3A_357, %reduce_sum3A_358 [1, 2] : vector<1x32x640xi32> to vector<1xi32>
    %reduce_sum3A_360 = vector.shape_cast %reduce_sum3A_359 : vector<1xi32> to vector<1x1x1xi32>
    %reduce_sum3A_361 = vector.extract %reduce_sum3A_360[0, 0, 0] : i32 from vector<1x1x1xi32>
    %or3A_362 = arith.constant 32768 : i32
    %or3A_363 = arith.ori %select_n3A_351, %or3A_362 : i32
    %ge3A_364 = vector.broadcast %or3A_363 : i32 to vector<32x640xi32>
    %ge3A_365 = arith.cmpi sge, %bitcast_convert_type3A, %ge3A_364 : vector<32x640xi32>
    %convert_element_type3A_366 = arith.extui %ge3A_365 : vector<32x640xi1> to vector<32x640xi32>
    %reduce_sum3A_367 = vector.shape_cast %convert_element_type3A_366 : vector<32x640xi32> to vector<1x32x640xi32>
    %reduce_sum3A_368 = arith.constant dense<0> : vector<1xi32>
    %reduce_sum3A_369 = vector.multi_reduction <add>, %reduce_sum3A_367, %reduce_sum3A_368 [1, 2] : vector<1x32x640xi32> to vector<1xi32>
    %reduce_sum3A_370 = vector.shape_cast %reduce_sum3A_369 : vector<1xi32> to vector<1x1x1xi32>
    %reduce_sum3A_371 = vector.extract %reduce_sum3A_370[0, 0, 0] : i32 from vector<1x1x1xi32>
    %or3A_372 = arith.constant 65536 : i32
    %or3A_373 = arith.ori %select_n3A_351, %or3A_372 : i32
    %or3A_374 = arith.constant 32768 : i32
    %or3A_375 = arith.ori %or3A_373, %or3A_374 : i32
    %ge3A_376 = vector.broadcast %or3A_375 : i32 to vector<32x640xi32>
    %ge3A_377 = arith.cmpi sge, %bitcast_convert_type3A, %ge3A_376 : vector<32x640xi32>
    %convert_element_type3A_378 = arith.extui %ge3A_377 : vector<32x640xi1> to vector<32x640xi32>
    %reduce_sum3A_379 = vector.shape_cast %convert_element_type3A_378 : vector<32x640xi32> to vector<1x32x640xi32>
    %reduce_sum3A_380 = arith.constant dense<0> : vector<1xi32>
    %reduce_sum3A_381 = vector.multi_reduction <add>, %reduce_sum3A_379, %reduce_sum3A_380 [1, 2] : vector<1x32x640xi32> to vector<1xi32>
    %reduce_sum3A_382 = vector.shape_cast %reduce_sum3A_381 : vector<1xi32> to vector<1x1x1xi32>
    %reduce_sum3A_383 = vector.extract %reduce_sum3A_382[0, 0, 0] : i32 from vector<1x1x1xi32>
    %ge3A_384 = arith.constant 512 : i32
    %ge3A_385 = arith.cmpi sge, %reduce_sum3A_361, %ge3A_384 : i32
    %ge3A_386 = arith.constant 512 : i32
    %ge3A_387 = arith.cmpi sge, %reduce_sum3A_383, %ge3A_386 : i32
    %or3A_388 = arith.constant 65536 : i32
    %or3A_389 = arith.ori %select_n3A_351, %or3A_388 : i32
    %or3A_390 = arith.constant 32768 : i32
    %or3A_391 = arith.ori %or3A_389, %or3A_390 : i32
    %or3A_392 = arith.constant 65536 : i32
    %or3A_393 = arith.ori %select_n3A_351, %or3A_392 : i32
    %select_n3A_394 = arith.select %ge3A_387, %or3A_391, %or3A_393 : i32
    %ge3A_395 = arith.constant 512 : i32
    %ge3A_396 = arith.cmpi sge, %reduce_sum3A_371, %ge3A_395 : i32
    %or3A_397 = arith.constant 32768 : i32
    %or3A_398 = arith.ori %select_n3A_351, %or3A_397 : i32
    %select_n3A_399 = arith.select %ge3A_396, %or3A_398, %select_n3A_351 : i32
    %select_n3A_400 = arith.select %ge3A_385, %select_n3A_394, %select_n3A_399 : i32
    %or3A_401 = arith.constant 16384 : i32
    %or3A_402 = arith.ori %select_n3A_400, %or3A_401 : i32
    %ge3A_403 = vector.broadcast %or3A_402 : i32 to vector<32x640xi32>
    %ge3A_404 = arith.cmpi sge, %bitcast_convert_type3A, %ge3A_403 : vector<32x640xi32>
    %convert_element_type3A_405 = arith.extui %ge3A_404 : vector<32x640xi1> to vector<32x640xi32>
    %reduce_sum3A_406 = vector.shape_cast %convert_element_type3A_405 : vector<32x640xi32> to vector<1x32x640xi32>
    %reduce_sum3A_407 = arith.constant dense<0> : vector<1xi32>
    %reduce_sum3A_408 = vector.multi_reduction <add>, %reduce_sum3A_406, %reduce_sum3A_407 [1, 2] : vector<1x32x640xi32> to vector<1xi32>
    %reduce_sum3A_409 = vector.shape_cast %reduce_sum3A_408 : vector<1xi32> to vector<1x1x1xi32>
    %reduce_sum3A_410 = vector.extract %reduce_sum3A_409[0, 0, 0] : i32 from vector<1x1x1xi32>
    %or3A_411 = arith.constant 8192 : i32
    %or3A_412 = arith.ori %select_n3A_400, %or3A_411 : i32
    %ge3A_413 = vector.broadcast %or3A_412 : i32 to vector<32x640xi32>
    %ge3A_414 = arith.cmpi sge, %bitcast_convert_type3A, %ge3A_413 : vector<32x640xi32>
    %convert_element_type3A_415 = arith.extui %ge3A_414 : vector<32x640xi1> to vector<32x640xi32>
    %reduce_sum3A_416 = vector.shape_cast %convert_element_type3A_415 : vector<32x640xi32> to vector<1x32x640xi32>
    %reduce_sum3A_417 = arith.constant dense<0> : vector<1xi32>
    %reduce_sum3A_418 = vector.multi_reduction <add>, %reduce_sum3A_416, %reduce_sum3A_417 [1, 2] : vector<1x32x640xi32> to vector<1xi32>
    %reduce_sum3A_419 = vector.shape_cast %reduce_sum3A_418 : vector<1xi32> to vector<1x1x1xi32>
    %reduce_sum3A_420 = vector.extract %reduce_sum3A_419[0, 0, 0] : i32 from vector<1x1x1xi32>
    %or3A_421 = arith.constant 16384 : i32
    %or3A_422 = arith.ori %select_n3A_400, %or3A_421 : i32
    %or3A_423 = arith.constant 8192 : i32
    %or3A_424 = arith.ori %or3A_422, %or3A_423 : i32
    %ge3A_425 = vector.broadcast %or3A_424 : i32 to vector<32x640xi32>
    %ge3A_426 = arith.cmpi sge, %bitcast_convert_type3A, %ge3A_425 : vector<32x640xi32>
    %convert_element_type3A_427 = arith.extui %ge3A_426 : vector<32x640xi1> to vector<32x640xi32>
    %reduce_sum3A_428 = vector.shape_cast %convert_element_type3A_427 : vector<32x640xi32> to vector<1x32x640xi32>
    %reduce_sum3A_429 = arith.constant dense<0> : vector<1xi32>
    %reduce_sum3A_430 = vector.multi_reduction <add>, %reduce_sum3A_428, %reduce_sum3A_429 [1, 2] : vector<1x32x640xi32> to vector<1xi32>
    %reduce_sum3A_431 = vector.shape_cast %reduce_sum3A_430 : vector<1xi32> to vector<1x1x1xi32>
    %reduce_sum3A_432 = vector.extract %reduce_sum3A_431[0, 0, 0] : i32 from vector<1x1x1xi32>
    %ge3A_433 = arith.constant 512 : i32
    %ge3A_434 = arith.cmpi sge, %reduce_sum3A_410, %ge3A_433 : i32
    %ge3A_435 = arith.constant 512 : i32
    %ge3A_436 = arith.cmpi sge, %reduce_sum3A_432, %ge3A_435 : i32
    %or3A_437 = arith.constant 16384 : i32
    %or3A_438 = arith.ori %select_n3A_400, %or3A_437 : i32
    %or3A_439 = arith.constant 8192 : i32
    %or3A_440 = arith.ori %or3A_438, %or3A_439 : i32
    %or3A_441 = arith.constant 16384 : i32
    %or3A_442 = arith.ori %select_n3A_400, %or3A_441 : i32
    %select_n3A_443 = arith.select %ge3A_436, %or3A_440, %or3A_442 : i32
    %ge3A_444 = arith.constant 512 : i32
    %ge3A_445 = arith.cmpi sge, %reduce_sum3A_420, %ge3A_444 : i32
    %or3A_446 = arith.constant 8192 : i32
    %or3A_447 = arith.ori %select_n3A_400, %or3A_446 : i32
    %select_n3A_448 = arith.select %ge3A_445, %or3A_447, %select_n3A_400 : i32
    %select_n3A_449 = arith.select %ge3A_434, %select_n3A_443, %select_n3A_448 : i32
    %or3A_450 = arith.constant 4096 : i32
    %or3A_451 = arith.ori %select_n3A_449, %or3A_450 : i32
    %ge3A_452 = vector.broadcast %or3A_451 : i32 to vector<32x640xi32>
    %ge3A_453 = arith.cmpi sge, %bitcast_convert_type3A, %ge3A_452 : vector<32x640xi32>
    %convert_element_type3A_454 = arith.extui %ge3A_453 : vector<32x640xi1> to vector<32x640xi32>
    %reduce_sum3A_455 = vector.shape_cast %convert_element_type3A_454 : vector<32x640xi32> to vector<1x32x640xi32>
    %reduce_sum3A_456 = arith.constant dense<0> : vector<1xi32>
    %reduce_sum3A_457 = vector.multi_reduction <add>, %reduce_sum3A_455, %reduce_sum3A_456 [1, 2] : vector<1x32x640xi32> to vector<1xi32>
    %reduce_sum3A_458 = vector.shape_cast %reduce_sum3A_457 : vector<1xi32> to vector<1x1x1xi32>
    %reduce_sum3A_459 = vector.extract %reduce_sum3A_458[0, 0, 0] : i32 from vector<1x1x1xi32>
    %or3A_460 = arith.constant 2048 : i32
    %or3A_461 = arith.ori %select_n3A_449, %or3A_460 : i32
    %ge3A_462 = vector.broadcast %or3A_461 : i32 to vector<32x640xi32>
    %ge3A_463 = arith.cmpi sge, %bitcast_convert_type3A, %ge3A_462 : vector<32x640xi32>
    %convert_element_type3A_464 = arith.extui %ge3A_463 : vector<32x640xi1> to vector<32x640xi32>
    %reduce_sum3A_465 = vector.shape_cast %convert_element_type3A_464 : vector<32x640xi32> to vector<1x32x640xi32>
    %reduce_sum3A_466 = arith.constant dense<0> : vector<1xi32>
    %reduce_sum3A_467 = vector.multi_reduction <add>, %reduce_sum3A_465, %reduce_sum3A_466 [1, 2] : vector<1x32x640xi32> to vector<1xi32>
    %reduce_sum3A_468 = vector.shape_cast %reduce_sum3A_467 : vector<1xi32> to vector<1x1x1xi32>
    %reduce_sum3A_469 = vector.extract %reduce_sum3A_468[0, 0, 0] : i32 from vector<1x1x1xi32>
    %or3A_470 = arith.constant 4096 : i32
    %or3A_471 = arith.ori %select_n3A_449, %or3A_470 : i32
    %or3A_472 = arith.constant 2048 : i32
    %or3A_473 = arith.ori %or3A_471, %or3A_472 : i32
    %ge3A_474 = vector.broadcast %or3A_473 : i32 to vector<32x640xi32>
    %ge3A_475 = arith.cmpi sge, %bitcast_convert_type3A, %ge3A_474 : vector<32x640xi32>
    %convert_element_type3A_476 = arith.extui %ge3A_475 : vector<32x640xi1> to vector<32x640xi32>
    %reduce_sum3A_477 = vector.shape_cast %convert_element_type3A_476 : vector<32x640xi32> to vector<1x32x640xi32>
    %reduce_sum3A_478 = arith.constant dense<0> : vector<1xi32>
    %reduce_sum3A_479 = vector.multi_reduction <add>, %reduce_sum3A_477, %reduce_sum3A_478 [1, 2] : vector<1x32x640xi32> to vector<1xi32>
    %reduce_sum3A_480 = vector.shape_cast %reduce_sum3A_479 : vector<1xi32> to vector<1x1x1xi32>
    %reduce_sum3A_481 = vector.extract %reduce_sum3A_480[0, 0, 0] : i32 from vector<1x1x1xi32>
    %ge3A_482 = arith.constant 512 : i32
    %ge3A_483 = arith.cmpi sge, %reduce_sum3A_459, %ge3A_482 : i32
    %ge3A_484 = arith.constant 512 : i32
    %ge3A_485 = arith.cmpi sge, %reduce_sum3A_481, %ge3A_484 : i32
    %or3A_486 = arith.constant 4096 : i32
    %or3A_487 = arith.ori %select_n3A_449, %or3A_486 : i32
    %or3A_488 = arith.constant 2048 : i32
    %or3A_489 = arith.ori %or3A_487, %or3A_488 : i32
    %or3A_490 = arith.constant 4096 : i32
    %or3A_491 = arith.ori %select_n3A_449, %or3A_490 : i32
    %select_n3A_492 = arith.select %ge3A_485, %or3A_489, %or3A_491 : i32
    %ge3A_493 = arith.constant 512 : i32
    %ge3A_494 = arith.cmpi sge, %reduce_sum3A_469, %ge3A_493 : i32
    %or3A_495 = arith.constant 2048 : i32
    %or3A_496 = arith.ori %select_n3A_449, %or3A_495 : i32
    %select_n3A_497 = arith.select %ge3A_494, %or3A_496, %select_n3A_449 : i32
    %select_n3A_498 = arith.select %ge3A_483, %select_n3A_492, %select_n3A_497 : i32
    %or3A_499 = arith.constant 1024 : i32
    %or3A_500 = arith.ori %select_n3A_498, %or3A_499 : i32
    %ge3A_501 = vector.broadcast %or3A_500 : i32 to vector<32x640xi32>
    %ge3A_502 = arith.cmpi sge, %bitcast_convert_type3A, %ge3A_501 : vector<32x640xi32>
    %convert_element_type3A_503 = arith.extui %ge3A_502 : vector<32x640xi1> to vector<32x640xi32>
    %reduce_sum3A_504 = vector.shape_cast %convert_element_type3A_503 : vector<32x640xi32> to vector<1x32x640xi32>
    %reduce_sum3A_505 = arith.constant dense<0> : vector<1xi32>
    %reduce_sum3A_506 = vector.multi_reduction <add>, %reduce_sum3A_504, %reduce_sum3A_505 [1, 2] : vector<1x32x640xi32> to vector<1xi32>
    %reduce_sum3A_507 = vector.shape_cast %reduce_sum3A_506 : vector<1xi32> to vector<1x1x1xi32>
    %reduce_sum3A_508 = vector.extract %reduce_sum3A_507[0, 0, 0] : i32 from vector<1x1x1xi32>
    %or3A_509 = arith.constant 512 : i32
    %or3A_510 = arith.ori %select_n3A_498, %or3A_509 : i32
    %ge3A_511 = vector.broadcast %or3A_510 : i32 to vector<32x640xi32>
    %ge3A_512 = arith.cmpi sge, %bitcast_convert_type3A, %ge3A_511 : vector<32x640xi32>
    %convert_element_type3A_513 = arith.extui %ge3A_512 : vector<32x640xi1> to vector<32x640xi32>
    %reduce_sum3A_514 = vector.shape_cast %convert_element_type3A_513 : vector<32x640xi32> to vector<1x32x640xi32>
    %reduce_sum3A_515 = arith.constant dense<0> : vector<1xi32>
    %reduce_sum3A_516 = vector.multi_reduction <add>, %reduce_sum3A_514, %reduce_sum3A_515 [1, 2] : vector<1x32x640xi32> to vector<1xi32>
    %reduce_sum3A_517 = vector.shape_cast %reduce_sum3A_516 : vector<1xi32> to vector<1x1x1xi32>
    %reduce_sum3A_518 = vector.extract %reduce_sum3A_517[0, 0, 0] : i32 from vector<1x1x1xi32>
    %or3A_519 = arith.constant 1024 : i32
    %or3A_520 = arith.ori %select_n3A_498, %or3A_519 : i32
    %or3A_521 = arith.constant 512 : i32
    %or3A_522 = arith.ori %or3A_520, %or3A_521 : i32
    %ge3A_523 = vector.broadcast %or3A_522 : i32 to vector<32x640xi32>
    %ge3A_524 = arith.cmpi sge, %bitcast_convert_type3A, %ge3A_523 : vector<32x640xi32>
    %convert_element_type3A_525 = arith.extui %ge3A_524 : vector<32x640xi1> to vector<32x640xi32>
    %reduce_sum3A_526 = vector.shape_cast %convert_element_type3A_525 : vector<32x640xi32> to vector<1x32x640xi32>
    %reduce_sum3A_527 = arith.constant dense<0> : vector<1xi32>
    %reduce_sum3A_528 = vector.multi_reduction <add>, %reduce_sum3A_526, %reduce_sum3A_527 [1, 2] : vector<1x32x640xi32> to vector<1xi32>
    %reduce_sum3A_529 = vector.shape_cast %reduce_sum3A_528 : vector<1xi32> to vector<1x1x1xi32>
    %reduce_sum3A_530 = vector.extract %reduce_sum3A_529[0, 0, 0] : i32 from vector<1x1x1xi32>
    %ge3A_531 = arith.constant 512 : i32
    %ge3A_532 = arith.cmpi sge, %reduce_sum3A_508, %ge3A_531 : i32
    %ge3A_533 = arith.constant 512 : i32
    %ge3A_534 = arith.cmpi sge, %reduce_sum3A_530, %ge3A_533 : i32
    %or3A_535 = arith.constant 1024 : i32
    %or3A_536 = arith.ori %select_n3A_498, %or3A_535 : i32
    %or3A_537 = arith.constant 512 : i32
    %or3A_538 = arith.ori %or3A_536, %or3A_537 : i32
    %or3A_539 = arith.constant 1024 : i32
    %or3A_540 = arith.ori %select_n3A_498, %or3A_539 : i32
    %select_n3A_541 = arith.select %ge3A_534, %or3A_538, %or3A_540 : i32
    %ge3A_542 = arith.constant 512 : i32
    %ge3A_543 = arith.cmpi sge, %reduce_sum3A_518, %ge3A_542 : i32
    %or3A_544 = arith.constant 512 : i32
    %or3A_545 = arith.ori %select_n3A_498, %or3A_544 : i32
    %select_n3A_546 = arith.select %ge3A_543, %or3A_545, %select_n3A_498 : i32
    %select_n3A_547 = arith.select %ge3A_532, %select_n3A_541, %select_n3A_546 : i32
    %or3A_548 = arith.constant 256 : i32
    %or3A_549 = arith.ori %select_n3A_547, %or3A_548 : i32
    %ge3A_550 = vector.broadcast %or3A_549 : i32 to vector<32x640xi32>
    %ge3A_551 = arith.cmpi sge, %bitcast_convert_type3A, %ge3A_550 : vector<32x640xi32>
    %convert_element_type3A_552 = arith.extui %ge3A_551 : vector<32x640xi1> to vector<32x640xi32>
    %reduce_sum3A_553 = vector.shape_cast %convert_element_type3A_552 : vector<32x640xi32> to vector<1x32x640xi32>
    %reduce_sum3A_554 = arith.constant dense<0> : vector<1xi32>
    %reduce_sum3A_555 = vector.multi_reduction <add>, %reduce_sum3A_553, %reduce_sum3A_554 [1, 2] : vector<1x32x640xi32> to vector<1xi32>
    %reduce_sum3A_556 = vector.shape_cast %reduce_sum3A_555 : vector<1xi32> to vector<1x1x1xi32>
    %reduce_sum3A_557 = vector.extract %reduce_sum3A_556[0, 0, 0] : i32 from vector<1x1x1xi32>
    %or3A_558 = arith.constant 128 : i32
    %or3A_559 = arith.ori %select_n3A_547, %or3A_558 : i32
    %ge3A_560 = vector.broadcast %or3A_559 : i32 to vector<32x640xi32>
    %ge3A_561 = arith.cmpi sge, %bitcast_convert_type3A, %ge3A_560 : vector<32x640xi32>
    %convert_element_type3A_562 = arith.extui %ge3A_561 : vector<32x640xi1> to vector<32x640xi32>
    %reduce_sum3A_563 = vector.shape_cast %convert_element_type3A_562 : vector<32x640xi32> to vector<1x32x640xi32>
    %reduce_sum3A_564 = arith.constant dense<0> : vector<1xi32>
    %reduce_sum3A_565 = vector.multi_reduction <add>, %reduce_sum3A_563, %reduce_sum3A_564 [1, 2] : vector<1x32x640xi32> to vector<1xi32>
    %reduce_sum3A_566 = vector.shape_cast %reduce_sum3A_565 : vector<1xi32> to vector<1x1x1xi32>
    %reduce_sum3A_567 = vector.extract %reduce_sum3A_566[0, 0, 0] : i32 from vector<1x1x1xi32>
    %or3A_568 = arith.constant 256 : i32
    %or3A_569 = arith.ori %select_n3A_547, %or3A_568 : i32
    %or3A_570 = arith.constant 128 : i32
    %or3A_571 = arith.ori %or3A_569, %or3A_570 : i32
    %ge3A_572 = vector.broadcast %or3A_571 : i32 to vector<32x640xi32>
    %ge3A_573 = arith.cmpi sge, %bitcast_convert_type3A, %ge3A_572 : vector<32x640xi32>
    %convert_element_type3A_574 = arith.extui %ge3A_573 : vector<32x640xi1> to vector<32x640xi32>
    %reduce_sum3A_575 = vector.shape_cast %convert_element_type3A_574 : vector<32x640xi32> to vector<1x32x640xi32>
    %reduce_sum3A_576 = arith.constant dense<0> : vector<1xi32>
    %reduce_sum3A_577 = vector.multi_reduction <add>, %reduce_sum3A_575, %reduce_sum3A_576 [1, 2] : vector<1x32x640xi32> to vector<1xi32>
    %reduce_sum3A_578 = vector.shape_cast %reduce_sum3A_577 : vector<1xi32> to vector<1x1x1xi32>
    %reduce_sum3A_579 = vector.extract %reduce_sum3A_578[0, 0, 0] : i32 from vector<1x1x1xi32>
    %ge3A_580 = arith.constant 512 : i32
    %ge3A_581 = arith.cmpi sge, %reduce_sum3A_557, %ge3A_580 : i32
    %ge3A_582 = arith.constant 512 : i32
    %ge3A_583 = arith.cmpi sge, %reduce_sum3A_579, %ge3A_582 : i32
    %or3A_584 = arith.constant 256 : i32
    %or3A_585 = arith.ori %select_n3A_547, %or3A_584 : i32
    %or3A_586 = arith.constant 128 : i32
    %or3A_587 = arith.ori %or3A_585, %or3A_586 : i32
    %or3A_588 = arith.constant 256 : i32
    %or3A_589 = arith.ori %select_n3A_547, %or3A_588 : i32
    %select_n3A_590 = arith.select %ge3A_583, %or3A_587, %or3A_589 : i32
    %ge3A_591 = arith.constant 512 : i32
    %ge3A_592 = arith.cmpi sge, %reduce_sum3A_567, %ge3A_591 : i32
    %or3A_593 = arith.constant 128 : i32
    %or3A_594 = arith.ori %select_n3A_547, %or3A_593 : i32
    %select_n3A_595 = arith.select %ge3A_592, %or3A_594, %select_n3A_547 : i32
    %select_n3A_596 = arith.select %ge3A_581, %select_n3A_590, %select_n3A_595 : i32
    %or3A_597 = arith.constant 64 : i32
    %or3A_598 = arith.ori %select_n3A_596, %or3A_597 : i32
    %ge3A_599 = vector.broadcast %or3A_598 : i32 to vector<32x640xi32>
    %ge3A_600 = arith.cmpi sge, %bitcast_convert_type3A, %ge3A_599 : vector<32x640xi32>
    %convert_element_type3A_601 = arith.extui %ge3A_600 : vector<32x640xi1> to vector<32x640xi32>
    %reduce_sum3A_602 = vector.shape_cast %convert_element_type3A_601 : vector<32x640xi32> to vector<1x32x640xi32>
    %reduce_sum3A_603 = arith.constant dense<0> : vector<1xi32>
    %reduce_sum3A_604 = vector.multi_reduction <add>, %reduce_sum3A_602, %reduce_sum3A_603 [1, 2] : vector<1x32x640xi32> to vector<1xi32>
    %reduce_sum3A_605 = vector.shape_cast %reduce_sum3A_604 : vector<1xi32> to vector<1x1x1xi32>
    %reduce_sum3A_606 = vector.extract %reduce_sum3A_605[0, 0, 0] : i32 from vector<1x1x1xi32>
    %or3A_607 = arith.constant 32 : i32
    %or3A_608 = arith.ori %select_n3A_596, %or3A_607 : i32
    %ge3A_609 = vector.broadcast %or3A_608 : i32 to vector<32x640xi32>
    %ge3A_610 = arith.cmpi sge, %bitcast_convert_type3A, %ge3A_609 : vector<32x640xi32>
    %convert_element_type3A_611 = arith.extui %ge3A_610 : vector<32x640xi1> to vector<32x640xi32>
    %reduce_sum3A_612 = vector.shape_cast %convert_element_type3A_611 : vector<32x640xi32> to vector<1x32x640xi32>
    %reduce_sum3A_613 = arith.constant dense<0> : vector<1xi32>
    %reduce_sum3A_614 = vector.multi_reduction <add>, %reduce_sum3A_612, %reduce_sum3A_613 [1, 2] : vector<1x32x640xi32> to vector<1xi32>
    %reduce_sum3A_615 = vector.shape_cast %reduce_sum3A_614 : vector<1xi32> to vector<1x1x1xi32>
    %reduce_sum3A_616 = vector.extract %reduce_sum3A_615[0, 0, 0] : i32 from vector<1x1x1xi32>
    %or3A_617 = arith.constant 64 : i32
    %or3A_618 = arith.ori %select_n3A_596, %or3A_617 : i32
    %or3A_619 = arith.constant 32 : i32
    %or3A_620 = arith.ori %or3A_618, %or3A_619 : i32
    %ge3A_621 = vector.broadcast %or3A_620 : i32 to vector<32x640xi32>
    %ge3A_622 = arith.cmpi sge, %bitcast_convert_type3A, %ge3A_621 : vector<32x640xi32>
    %convert_element_type3A_623 = arith.extui %ge3A_622 : vector<32x640xi1> to vector<32x640xi32>
    %reduce_sum3A_624 = vector.shape_cast %convert_element_type3A_623 : vector<32x640xi32> to vector<1x32x640xi32>
    %reduce_sum3A_625 = arith.constant dense<0> : vector<1xi32>
    %reduce_sum3A_626 = vector.multi_reduction <add>, %reduce_sum3A_624, %reduce_sum3A_625 [1, 2] : vector<1x32x640xi32> to vector<1xi32>
    %reduce_sum3A_627 = vector.shape_cast %reduce_sum3A_626 : vector<1xi32> to vector<1x1x1xi32>
    %reduce_sum3A_628 = vector.extract %reduce_sum3A_627[0, 0, 0] : i32 from vector<1x1x1xi32>
    %ge3A_629 = arith.constant 512 : i32
    %ge3A_630 = arith.cmpi sge, %reduce_sum3A_606, %ge3A_629 : i32
    %ge3A_631 = arith.constant 512 : i32
    %ge3A_632 = arith.cmpi sge, %reduce_sum3A_628, %ge3A_631 : i32
    %or3A_633 = arith.constant 64 : i32
    %or3A_634 = arith.ori %select_n3A_596, %or3A_633 : i32
    %or3A_635 = arith.constant 32 : i32
    %or3A_636 = arith.ori %or3A_634, %or3A_635 : i32
    %or3A_637 = arith.constant 64 : i32
    %or3A_638 = arith.ori %select_n3A_596, %or3A_637 : i32
    %select_n3A_639 = arith.select %ge3A_632, %or3A_636, %or3A_638 : i32
    %ge3A_640 = arith.constant 512 : i32
    %ge3A_641 = arith.cmpi sge, %reduce_sum3A_616, %ge3A_640 : i32
    %or3A_642 = arith.constant 32 : i32
    %or3A_643 = arith.ori %select_n3A_596, %or3A_642 : i32
    %select_n3A_644 = arith.select %ge3A_641, %or3A_643, %select_n3A_596 : i32
    %select_n3A_645 = arith.select %ge3A_630, %select_n3A_639, %select_n3A_644 : i32
    %or3A_646 = arith.constant 16 : i32
    %or3A_647 = arith.ori %select_n3A_645, %or3A_646 : i32
    %ge3A_648 = vector.broadcast %or3A_647 : i32 to vector<32x640xi32>
    %ge3A_649 = arith.cmpi sge, %bitcast_convert_type3A, %ge3A_648 : vector<32x640xi32>
    %convert_element_type3A_650 = arith.extui %ge3A_649 : vector<32x640xi1> to vector<32x640xi32>
    %reduce_sum3A_651 = vector.shape_cast %convert_element_type3A_650 : vector<32x640xi32> to vector<1x32x640xi32>
    %reduce_sum3A_652 = arith.constant dense<0> : vector<1xi32>
    %reduce_sum3A_653 = vector.multi_reduction <add>, %reduce_sum3A_651, %reduce_sum3A_652 [1, 2] : vector<1x32x640xi32> to vector<1xi32>
    %reduce_sum3A_654 = vector.shape_cast %reduce_sum3A_653 : vector<1xi32> to vector<1x1x1xi32>
    %reduce_sum3A_655 = vector.extract %reduce_sum3A_654[0, 0, 0] : i32 from vector<1x1x1xi32>
    %or3A_656 = arith.constant 8 : i32
    %or3A_657 = arith.ori %select_n3A_645, %or3A_656 : i32
    %ge3A_658 = vector.broadcast %or3A_657 : i32 to vector<32x640xi32>
    %ge3A_659 = arith.cmpi sge, %bitcast_convert_type3A, %ge3A_658 : vector<32x640xi32>
    %convert_element_type3A_660 = arith.extui %ge3A_659 : vector<32x640xi1> to vector<32x640xi32>
    %reduce_sum3A_661 = vector.shape_cast %convert_element_type3A_660 : vector<32x640xi32> to vector<1x32x640xi32>
    %reduce_sum3A_662 = arith.constant dense<0> : vector<1xi32>
    %reduce_sum3A_663 = vector.multi_reduction <add>, %reduce_sum3A_661, %reduce_sum3A_662 [1, 2] : vector<1x32x640xi32> to vector<1xi32>
    %reduce_sum3A_664 = vector.shape_cast %reduce_sum3A_663 : vector<1xi32> to vector<1x1x1xi32>
    %reduce_sum3A_665 = vector.extract %reduce_sum3A_664[0, 0, 0] : i32 from vector<1x1x1xi32>
    %or3A_666 = arith.constant 16 : i32
    %or3A_667 = arith.ori %select_n3A_645, %or3A_666 : i32
    %or3A_668 = arith.constant 8 : i32
    %or3A_669 = arith.ori %or3A_667, %or3A_668 : i32
    %ge3A_670 = vector.broadcast %or3A_669 : i32 to vector<32x640xi32>
    %ge3A_671 = arith.cmpi sge, %bitcast_convert_type3A, %ge3A_670 : vector<32x640xi32>
    %convert_element_type3A_672 = arith.extui %ge3A_671 : vector<32x640xi1> to vector<32x640xi32>
    %reduce_sum3A_673 = vector.shape_cast %convert_element_type3A_672 : vector<32x640xi32> to vector<1x32x640xi32>
    %reduce_sum3A_674 = arith.constant dense<0> : vector<1xi32>
    %reduce_sum3A_675 = vector.multi_reduction <add>, %reduce_sum3A_673, %reduce_sum3A_674 [1, 2] : vector<1x32x640xi32> to vector<1xi32>
    %reduce_sum3A_676 = vector.shape_cast %reduce_sum3A_675 : vector<1xi32> to vector<1x1x1xi32>
    %reduce_sum3A_677 = vector.extract %reduce_sum3A_676[0, 0, 0] : i32 from vector<1x1x1xi32>
    %ge3A_678 = arith.constant 512 : i32
    %ge3A_679 = arith.cmpi sge, %reduce_sum3A_655, %ge3A_678 : i32
    %ge3A_680 = arith.constant 512 : i32
    %ge3A_681 = arith.cmpi sge, %reduce_sum3A_677, %ge3A_680 : i32
    %or3A_682 = arith.constant 16 : i32
    %or3A_683 = arith.ori %select_n3A_645, %or3A_682 : i32
    %or3A_684 = arith.constant 8 : i32
    %or3A_685 = arith.ori %or3A_683, %or3A_684 : i32
    %or3A_686 = arith.constant 16 : i32
    %or3A_687 = arith.ori %select_n3A_645, %or3A_686 : i32
    %select_n3A_688 = arith.select %ge3A_681, %or3A_685, %or3A_687 : i32
    %ge3A_689 = arith.constant 512 : i32
    %ge3A_690 = arith.cmpi sge, %reduce_sum3A_665, %ge3A_689 : i32
    %or3A_691 = arith.constant 8 : i32
    %or3A_692 = arith.ori %select_n3A_645, %or3A_691 : i32
    %select_n3A_693 = arith.select %ge3A_690, %or3A_692, %select_n3A_645 : i32
    %select_n3A_694 = arith.select %ge3A_679, %select_n3A_688, %select_n3A_693 : i32
    %or3A_695 = arith.constant 4 : i32
    %or3A_696 = arith.ori %select_n3A_694, %or3A_695 : i32
    %ge3A_697 = vector.broadcast %or3A_696 : i32 to vector<32x640xi32>
    %ge3A_698 = arith.cmpi sge, %bitcast_convert_type3A, %ge3A_697 : vector<32x640xi32>
    %convert_element_type3A_699 = arith.extui %ge3A_698 : vector<32x640xi1> to vector<32x640xi32>
    %reduce_sum3A_700 = vector.shape_cast %convert_element_type3A_699 : vector<32x640xi32> to vector<1x32x640xi32>
    %reduce_sum3A_701 = arith.constant dense<0> : vector<1xi32>
    %reduce_sum3A_702 = vector.multi_reduction <add>, %reduce_sum3A_700, %reduce_sum3A_701 [1, 2] : vector<1x32x640xi32> to vector<1xi32>
    %reduce_sum3A_703 = vector.shape_cast %reduce_sum3A_702 : vector<1xi32> to vector<1x1x1xi32>
    %reduce_sum3A_704 = vector.extract %reduce_sum3A_703[0, 0, 0] : i32 from vector<1x1x1xi32>
    %or3A_705 = arith.constant 2 : i32
    %or3A_706 = arith.ori %select_n3A_694, %or3A_705 : i32
    %ge3A_707 = vector.broadcast %or3A_706 : i32 to vector<32x640xi32>
    %ge3A_708 = arith.cmpi sge, %bitcast_convert_type3A, %ge3A_707 : vector<32x640xi32>
    %convert_element_type3A_709 = arith.extui %ge3A_708 : vector<32x640xi1> to vector<32x640xi32>
    %reduce_sum3A_710 = vector.shape_cast %convert_element_type3A_709 : vector<32x640xi32> to vector<1x32x640xi32>
    %reduce_sum3A_711 = arith.constant dense<0> : vector<1xi32>
    %reduce_sum3A_712 = vector.multi_reduction <add>, %reduce_sum3A_710, %reduce_sum3A_711 [1, 2] : vector<1x32x640xi32> to vector<1xi32>
    %reduce_sum3A_713 = vector.shape_cast %reduce_sum3A_712 : vector<1xi32> to vector<1x1x1xi32>
    %reduce_sum3A_714 = vector.extract %reduce_sum3A_713[0, 0, 0] : i32 from vector<1x1x1xi32>
    %or3A_715 = arith.constant 4 : i32
    %or3A_716 = arith.ori %select_n3A_694, %or3A_715 : i32
    %or3A_717 = arith.constant 2 : i32
    %or3A_718 = arith.ori %or3A_716, %or3A_717 : i32
    %ge3A_719 = vector.broadcast %or3A_718 : i32 to vector<32x640xi32>
    %ge3A_720 = arith.cmpi sge, %bitcast_convert_type3A, %ge3A_719 : vector<32x640xi32>
    %convert_element_type3A_721 = arith.extui %ge3A_720 : vector<32x640xi1> to vector<32x640xi32>
    %reduce_sum3A_722 = vector.shape_cast %convert_element_type3A_721 : vector<32x640xi32> to vector<1x32x640xi32>
    %reduce_sum3A_723 = arith.constant dense<0> : vector<1xi32>
    %reduce_sum3A_724 = vector.multi_reduction <add>, %reduce_sum3A_722, %reduce_sum3A_723 [1, 2] : vector<1x32x640xi32> to vector<1xi32>
    %reduce_sum3A_725 = vector.shape_cast %reduce_sum3A_724 : vector<1xi32> to vector<1x1x1xi32>
    %reduce_sum3A_726 = vector.extract %reduce_sum3A_725[0, 0, 0] : i32 from vector<1x1x1xi32>
    %ge3A_727 = arith.constant 512 : i32
    %ge3A_728 = arith.cmpi sge, %reduce_sum3A_704, %ge3A_727 : i32
    %ge3A_729 = arith.constant 512 : i32
    %ge3A_730 = arith.cmpi sge, %reduce_sum3A_726, %ge3A_729 : i32
    %or3A_731 = arith.constant 4 : i32
    %or3A_732 = arith.ori %select_n3A_694, %or3A_731 : i32
    %or3A_733 = arith.constant 2 : i32
    %or3A_734 = arith.ori %or3A_732, %or3A_733 : i32
    %or3A_735 = arith.constant 4 : i32
    %or3A_736 = arith.ori %select_n3A_694, %or3A_735 : i32
    %select_n3A_737 = arith.select %ge3A_730, %or3A_734, %or3A_736 : i32
    %ge3A_738 = arith.constant 512 : i32
    %ge3A_739 = arith.cmpi sge, %reduce_sum3A_714, %ge3A_738 : i32
    %or3A_740 = arith.constant 2 : i32
    %or3A_741 = arith.ori %select_n3A_694, %or3A_740 : i32
    %select_n3A_742 = arith.select %ge3A_739, %or3A_741, %select_n3A_694 : i32
    %select_n3A_743 = arith.select %ge3A_728, %select_n3A_737, %select_n3A_742 : i32
    %or3A_744 = arith.constant 1 : i32
    %or3A_745 = arith.ori %select_n3A_743, %or3A_744 : i32
    %ge3A_746 = vector.broadcast %or3A_745 : i32 to vector<32x640xi32>
    %ge3A_747 = arith.cmpi sge, %bitcast_convert_type3A, %ge3A_746 : vector<32x640xi32>
    %convert_element_type3A_748 = arith.extui %ge3A_747 : vector<32x640xi1> to vector<32x640xi32>
    %reduce_sum3A_749 = vector.shape_cast %convert_element_type3A_748 : vector<32x640xi32> to vector<1x32x640xi32>
    %reduce_sum3A_750 = arith.constant dense<0> : vector<1xi32>
    %reduce_sum3A_751 = vector.multi_reduction <add>, %reduce_sum3A_749, %reduce_sum3A_750 [1, 2] : vector<1x32x640xi32> to vector<1xi32>
    %reduce_sum3A_752 = vector.shape_cast %reduce_sum3A_751 : vector<1xi32> to vector<1x1x1xi32>
    %reduce_sum3A_753 = vector.extract %reduce_sum3A_752[0, 0, 0] : i32 from vector<1x1x1xi32>
    %ge3A_754 = arith.constant 512 : i32
    %ge3A_755 = arith.cmpi sge, %reduce_sum3A_753, %ge3A_754 : i32
    %select_n3A_756 = arith.select %ge3A_755, %or3A_745, %select_n3A_743 : i32
    %gt3A = vector.broadcast %select_n3A_756 : i32 to vector<32x640xi32>
    %gt3A_757 = arith.cmpi sgt, %bitcast_convert_type3A, %gt3A : vector<32x640xi32>
    %convert_element_type3A_758 = arith.extui %gt3A_757 : vector<32x640xi1> to vector<32x640xi32>
    %reduce_sum3A_759 = vector.shape_cast %convert_element_type3A_758 : vector<32x640xi32> to vector<1x32x640xi32>
    %reduce_sum3A_760 = arith.constant dense<0> : vector<1xi32>
    %reduce_sum3A_761 = vector.multi_reduction <add>, %reduce_sum3A_759, %reduce_sum3A_760 [1, 2] : vector<1x32x640xi32> to vector<1xi32>
    %reduce_sum3A_762 = vector.shape_cast %reduce_sum3A_761 : vector<1xi32> to vector<1x1x1xi32>
    %reduce_sum3A_763 = vector.extract %reduce_sum3A_762[0, 0, 0] : i32 from vector<1x1x1xi32>
    %sub3A_764 = arith.constant 512 : i32
    %sub3A_765 = arith.subi %sub3A_764, %reduce_sum3A_763 : i32
    %eq3A = vector.broadcast %select_n3A_756 : i32 to vector<32x640xi32>
    %eq3A_766 = arith.cmpi eq, %bitcast_convert_type3A, %eq3A : vector<32x640xi32>
    %iota3A = tpu.iota {dimensions = array<i32: 0>} : vector<32x640xi32>
    %mul3A = arith.constant 640 : i32
    %mul3A_767 = vector.broadcast %mul3A : i32 to vector<32x640xi32>
    %mul3A_768 = arith.muli %iota3A, %mul3A_767 : vector<32x640xi32>
    %iota3A_769 = tpu.iota {dimensions = array<i32: 1>} : vector<32x640xi32>
    %add3A_770 = arith.addi %mul3A_768, %iota3A_769 : vector<32x640xi32>
    %or3A_771 = arith.constant 0 : i32
    %or3A_772 = arith.constant 16384 : i32
    %or3A_773 = arith.ori %or3A_771, %or3A_772 : i32
    %lt3A = vector.broadcast %or3A_773 : i32 to vector<32x640xi32>
    %lt3A_774 = arith.cmpi slt, %add3A_770, %lt3A : vector<32x640xi32>
    %and3A = arith.andi %eq3A_766, %lt3A_774 : vector<32x640xi1>
    %convert_element_type3A_775 = arith.extui %and3A : vector<32x640xi1> to vector<32x640xi32>
    %reduce_sum3A_776 = vector.shape_cast %convert_element_type3A_775 : vector<32x640xi32> to vector<1x32x640xi32>
    %reduce_sum3A_777 = arith.constant dense<0> : vector<1xi32>
    %reduce_sum3A_778 = vector.multi_reduction <add>, %reduce_sum3A_776, %reduce_sum3A_777 [1, 2] : vector<1x32x640xi32> to vector<1xi32>
    %reduce_sum3A_779 = vector.shape_cast %reduce_sum3A_778 : vector<1xi32> to vector<1x1x1xi32>
    %reduce_sum3A_780 = vector.extract %reduce_sum3A_779[0, 0, 0] : i32 from vector<1x1x1xi32>
    %or3A_781 = arith.constant 0 : i32
    %or3A_782 = arith.constant 8192 : i32
    %or3A_783 = arith.ori %or3A_781, %or3A_782 : i32
    %lt3A_784 = vector.broadcast %or3A_783 : i32 to vector<32x640xi32>
    %lt3A_785 = arith.cmpi slt, %add3A_770, %lt3A_784 : vector<32x640xi32>
    %and3A_786 = arith.andi %eq3A_766, %lt3A_785 : vector<32x640xi1>
    %convert_element_type3A_787 = arith.extui %and3A_786 : vector<32x640xi1> to vector<32x640xi32>
    %reduce_sum3A_788 = vector.shape_cast %convert_element_type3A_787 : vector<32x640xi32> to vector<1x32x640xi32>
    %reduce_sum3A_789 = arith.constant dense<0> : vector<1xi32>
    %reduce_sum3A_790 = vector.multi_reduction <add>, %reduce_sum3A_788, %reduce_sum3A_789 [1, 2] : vector<1x32x640xi32> to vector<1xi32>
    %reduce_sum3A_791 = vector.shape_cast %reduce_sum3A_790 : vector<1xi32> to vector<1x1x1xi32>
    %reduce_sum3A_792 = vector.extract %reduce_sum3A_791[0, 0, 0] : i32 from vector<1x1x1xi32>
    %or3A_793 = arith.constant 0 : i32
    %or3A_794 = arith.constant 16384 : i32
    %or3A_795 = arith.ori %or3A_793, %or3A_794 : i32
    %or3A_796 = arith.constant 8192 : i32
    %or3A_797 = arith.ori %or3A_795, %or3A_796 : i32
    %lt3A_798 = vector.broadcast %or3A_797 : i32 to vector<32x640xi32>
    %lt3A_799 = arith.cmpi slt, %add3A_770, %lt3A_798 : vector<32x640xi32>
    %and3A_800 = arith.andi %eq3A_766, %lt3A_799 : vector<32x640xi1>
    %convert_element_type3A_801 = arith.extui %and3A_800 : vector<32x640xi1> to vector<32x640xi32>
    %reduce_sum3A_802 = vector.shape_cast %convert_element_type3A_801 : vector<32x640xi32> to vector<1x32x640xi32>
    %reduce_sum3A_803 = arith.constant dense<0> : vector<1xi32>
    %reduce_sum3A_804 = vector.multi_reduction <add>, %reduce_sum3A_802, %reduce_sum3A_803 [1, 2] : vector<1x32x640xi32> to vector<1xi32>
    %reduce_sum3A_805 = vector.shape_cast %reduce_sum3A_804 : vector<1xi32> to vector<1x1x1xi32>
    %reduce_sum3A_806 = vector.extract %reduce_sum3A_805[0, 0, 0] : i32 from vector<1x1x1xi32>
    %lt3A_807 = arith.cmpi slt, %reduce_sum3A_780, %sub3A_765 : i32
    %lt3A_808 = arith.cmpi slt, %reduce_sum3A_806, %sub3A_765 : i32
    %or3A_809 = arith.constant 0 : i32
    %or3A_810 = arith.constant 16384 : i32
    %or3A_811 = arith.ori %or3A_809, %or3A_810 : i32
    %or3A_812 = arith.constant 8192 : i32
    %or3A_813 = arith.ori %or3A_811, %or3A_812 : i32
    %or3A_814 = arith.constant 0 : i32
    %or3A_815 = arith.constant 16384 : i32
    %or3A_816 = arith.ori %or3A_814, %or3A_815 : i32
    %select_n3A_817 = arith.select %lt3A_808, %or3A_813, %or3A_816 : i32
    %lt3A_818 = arith.cmpi slt, %reduce_sum3A_792, %sub3A_765 : i32
    %or3A_819 = arith.constant 0 : i32
    %or3A_820 = arith.constant 8192 : i32
    %or3A_821 = arith.ori %or3A_819, %or3A_820 : i32
    %jit3A_822 = arith.constant 0 : i32
    %select_n3A_823 = arith.select %lt3A_818, %or3A_821, %jit3A_822 : i32
    %select_n3A_824 = arith.select %lt3A_807, %select_n3A_817, %select_n3A_823 : i32
    %or3A_825 = arith.constant 4096 : i32
    %or3A_826 = arith.ori %select_n3A_824, %or3A_825 : i32
    %lt3A_827 = vector.broadcast %or3A_826 : i32 to vector<32x640xi32>
    %lt3A_828 = arith.cmpi slt, %add3A_770, %lt3A_827 : vector<32x640xi32>
    %and3A_829 = arith.andi %eq3A_766, %lt3A_828 : vector<32x640xi1>
    %convert_element_type3A_830 = arith.extui %and3A_829 : vector<32x640xi1> to vector<32x640xi32>
    %reduce_sum3A_831 = vector.shape_cast %convert_element_type3A_830 : vector<32x640xi32> to vector<1x32x640xi32>
    %reduce_sum3A_832 = arith.constant dense<0> : vector<1xi32>
    %reduce_sum3A_833 = vector.multi_reduction <add>, %reduce_sum3A_831, %reduce_sum3A_832 [1, 2] : vector<1x32x640xi32> to vector<1xi32>
    %reduce_sum3A_834 = vector.shape_cast %reduce_sum3A_833 : vector<1xi32> to vector<1x1x1xi32>
    %reduce_sum3A_835 = vector.extract %reduce_sum3A_834[0, 0, 0] : i32 from vector<1x1x1xi32>
    %or3A_836 = arith.constant 2048 : i32
    %or3A_837 = arith.ori %select_n3A_824, %or3A_836 : i32
    %lt3A_838 = vector.broadcast %or3A_837 : i32 to vector<32x640xi32>
    %lt3A_839 = arith.cmpi slt, %add3A_770, %lt3A_838 : vector<32x640xi32>
    %and3A_840 = arith.andi %eq3A_766, %lt3A_839 : vector<32x640xi1>
    %convert_element_type3A_841 = arith.extui %and3A_840 : vector<32x640xi1> to vector<32x640xi32>
    %reduce_sum3A_842 = vector.shape_cast %convert_element_type3A_841 : vector<32x640xi32> to vector<1x32x640xi32>
    %reduce_sum3A_843 = arith.constant dense<0> : vector<1xi32>
    %reduce_sum3A_844 = vector.multi_reduction <add>, %reduce_sum3A_842, %reduce_sum3A_843 [1, 2] : vector<1x32x640xi32> to vector<1xi32>
    %reduce_sum3A_845 = vector.shape_cast %reduce_sum3A_844 : vector<1xi32> to vector<1x1x1xi32>
    %reduce_sum3A_846 = vector.extract %reduce_sum3A_845[0, 0, 0] : i32 from vector<1x1x1xi32>
    %or3A_847 = arith.constant 4096 : i32
    %or3A_848 = arith.ori %select_n3A_824, %or3A_847 : i32
    %or3A_849 = arith.constant 2048 : i32
    %or3A_850 = arith.ori %or3A_848, %or3A_849 : i32
    %lt3A_851 = vector.broadcast %or3A_850 : i32 to vector<32x640xi32>
    %lt3A_852 = arith.cmpi slt, %add3A_770, %lt3A_851 : vector<32x640xi32>
    %and3A_853 = arith.andi %eq3A_766, %lt3A_852 : vector<32x640xi1>
    %convert_element_type3A_854 = arith.extui %and3A_853 : vector<32x640xi1> to vector<32x640xi32>
    %reduce_sum3A_855 = vector.shape_cast %convert_element_type3A_854 : vector<32x640xi32> to vector<1x32x640xi32>
    %reduce_sum3A_856 = arith.constant dense<0> : vector<1xi32>
    %reduce_sum3A_857 = vector.multi_reduction <add>, %reduce_sum3A_855, %reduce_sum3A_856 [1, 2] : vector<1x32x640xi32> to vector<1xi32>
    %reduce_sum3A_858 = vector.shape_cast %reduce_sum3A_857 : vector<1xi32> to vector<1x1x1xi32>
    %reduce_sum3A_859 = vector.extract %reduce_sum3A_858[0, 0, 0] : i32 from vector<1x1x1xi32>
    %lt3A_860 = arith.cmpi slt, %reduce_sum3A_835, %sub3A_765 : i32
    %lt3A_861 = arith.cmpi slt, %reduce_sum3A_859, %sub3A_765 : i32
    %or3A_862 = arith.constant 4096 : i32
    %or3A_863 = arith.ori %select_n3A_824, %or3A_862 : i32
    %or3A_864 = arith.constant 2048 : i32
    %or3A_865 = arith.ori %or3A_863, %or3A_864 : i32
    %or3A_866 = arith.constant 4096 : i32
    %or3A_867 = arith.ori %select_n3A_824, %or3A_866 : i32
    %select_n3A_868 = arith.select %lt3A_861, %or3A_865, %or3A_867 : i32
    %lt3A_869 = arith.cmpi slt, %reduce_sum3A_846, %sub3A_765 : i32
    %or3A_870 = arith.constant 2048 : i32
    %or3A_871 = arith.ori %select_n3A_824, %or3A_870 : i32
    %select_n3A_872 = arith.select %lt3A_869, %or3A_871, %select_n3A_824 : i32
    %select_n3A_873 = arith.select %lt3A_860, %select_n3A_868, %select_n3A_872 : i32
    %or3A_874 = arith.constant 1024 : i32
    %or3A_875 = arith.ori %select_n3A_873, %or3A_874 : i32
    %lt3A_876 = vector.broadcast %or3A_875 : i32 to vector<32x640xi32>
    %lt3A_877 = arith.cmpi slt, %add3A_770, %lt3A_876 : vector<32x640xi32>
    %and3A_878 = arith.andi %eq3A_766, %lt3A_877 : vector<32x640xi1>
    %convert_element_type3A_879 = arith.extui %and3A_878 : vector<32x640xi1> to vector<32x640xi32>
    %reduce_sum3A_880 = vector.shape_cast %convert_element_type3A_879 : vector<32x640xi32> to vector<1x32x640xi32>
    %reduce_sum3A_881 = arith.constant dense<0> : vector<1xi32>
    %reduce_sum3A_882 = vector.multi_reduction <add>, %reduce_sum3A_880, %reduce_sum3A_881 [1, 2] : vector<1x32x640xi32> to vector<1xi32>
    %reduce_sum3A_883 = vector.shape_cast %reduce_sum3A_882 : vector<1xi32> to vector<1x1x1xi32>
    %reduce_sum3A_884 = vector.extract %reduce_sum3A_883[0, 0, 0] : i32 from vector<1x1x1xi32>
    %or3A_885 = arith.constant 512 : i32
    %or3A_886 = arith.ori %select_n3A_873, %or3A_885 : i32
    %lt3A_887 = vector.broadcast %or3A_886 : i32 to vector<32x640xi32>
    %lt3A_888 = arith.cmpi slt, %add3A_770, %lt3A_887 : vector<32x640xi32>
    %and3A_889 = arith.andi %eq3A_766, %lt3A_888 : vector<32x640xi1>
    %convert_element_type3A_890 = arith.extui %and3A_889 : vector<32x640xi1> to vector<32x640xi32>
    %reduce_sum3A_891 = vector.shape_cast %convert_element_type3A_890 : vector<32x640xi32> to vector<1x32x640xi32>
    %reduce_sum3A_892 = arith.constant dense<0> : vector<1xi32>
    %reduce_sum3A_893 = vector.multi_reduction <add>, %reduce_sum3A_891, %reduce_sum3A_892 [1, 2] : vector<1x32x640xi32> to vector<1xi32>
    %reduce_sum3A_894 = vector.shape_cast %reduce_sum3A_893 : vector<1xi32> to vector<1x1x1xi32>
    %reduce_sum3A_895 = vector.extract %reduce_sum3A_894[0, 0, 0] : i32 from vector<1x1x1xi32>
    %or3A_896 = arith.constant 1024 : i32
    %or3A_897 = arith.ori %select_n3A_873, %or3A_896 : i32
    %or3A_898 = arith.constant 512 : i32
    %or3A_899 = arith.ori %or3A_897, %or3A_898 : i32
    %lt3A_900 = vector.broadcast %or3A_899 : i32 to vector<32x640xi32>
    %lt3A_901 = arith.cmpi slt, %add3A_770, %lt3A_900 : vector<32x640xi32>
    %and3A_902 = arith.andi %eq3A_766, %lt3A_901 : vector<32x640xi1>
    %convert_element_type3A_903 = arith.extui %and3A_902 : vector<32x640xi1> to vector<32x640xi32>
    %reduce_sum3A_904 = vector.shape_cast %convert_element_type3A_903 : vector<32x640xi32> to vector<1x32x640xi32>
    %reduce_sum3A_905 = arith.constant dense<0> : vector<1xi32>
    %reduce_sum3A_906 = vector.multi_reduction <add>, %reduce_sum3A_904, %reduce_sum3A_905 [1, 2] : vector<1x32x640xi32> to vector<1xi32>
    %reduce_sum3A_907 = vector.shape_cast %reduce_sum3A_906 : vector<1xi32> to vector<1x1x1xi32>
    %reduce_sum3A_908 = vector.extract %reduce_sum3A_907[0, 0, 0] : i32 from vector<1x1x1xi32>
    %lt3A_909 = arith.cmpi slt, %reduce_sum3A_884, %sub3A_765 : i32
    %lt3A_910 = arith.cmpi slt, %reduce_sum3A_908, %sub3A_765 : i32
    %or3A_911 = arith.constant 1024 : i32
    %or3A_912 = arith.ori %select_n3A_873, %or3A_911 : i32
    %or3A_913 = arith.constant 512 : i32
    %or3A_914 = arith.ori %or3A_912, %or3A_913 : i32
    %or3A_915 = arith.constant 1024 : i32
    %or3A_916 = arith.ori %select_n3A_873, %or3A_915 : i32
    %select_n3A_917 = arith.select %lt3A_910, %or3A_914, %or3A_916 : i32
    %lt3A_918 = arith.cmpi slt, %reduce_sum3A_895, %sub3A_765 : i32
    %or3A_919 = arith.constant 512 : i32
    %or3A_920 = arith.ori %select_n3A_873, %or3A_919 : i32
    %select_n3A_921 = arith.select %lt3A_918, %or3A_920, %select_n3A_873 : i32
    %select_n3A_922 = arith.select %lt3A_909, %select_n3A_917, %select_n3A_921 : i32
    %or3A_923 = arith.constant 256 : i32
    %or3A_924 = arith.ori %select_n3A_922, %or3A_923 : i32
    %lt3A_925 = vector.broadcast %or3A_924 : i32 to vector<32x640xi32>
    %lt3A_926 = arith.cmpi slt, %add3A_770, %lt3A_925 : vector<32x640xi32>
    %and3A_927 = arith.andi %eq3A_766, %lt3A_926 : vector<32x640xi1>
    %convert_element_type3A_928 = arith.extui %and3A_927 : vector<32x640xi1> to vector<32x640xi32>
    %reduce_sum3A_929 = vector.shape_cast %convert_element_type3A_928 : vector<32x640xi32> to vector<1x32x640xi32>
    %reduce_sum3A_930 = arith.constant dense<0> : vector<1xi32>
    %reduce_sum3A_931 = vector.multi_reduction <add>, %reduce_sum3A_929, %reduce_sum3A_930 [1, 2] : vector<1x32x640xi32> to vector<1xi32>
    %reduce_sum3A_932 = vector.shape_cast %reduce_sum3A_931 : vector<1xi32> to vector<1x1x1xi32>
    %reduce_sum3A_933 = vector.extract %reduce_sum3A_932[0, 0, 0] : i32 from vector<1x1x1xi32>
    %or3A_934 = arith.constant 128 : i32
    %or3A_935 = arith.ori %select_n3A_922, %or3A_934 : i32
    %lt3A_936 = vector.broadcast %or3A_935 : i32 to vector<32x640xi32>
    %lt3A_937 = arith.cmpi slt, %add3A_770, %lt3A_936 : vector<32x640xi32>
    %and3A_938 = arith.andi %eq3A_766, %lt3A_937 : vector<32x640xi1>
    %convert_element_type3A_939 = arith.extui %and3A_938 : vector<32x640xi1> to vector<32x640xi32>
    %reduce_sum3A_940 = vector.shape_cast %convert_element_type3A_939 : vector<32x640xi32> to vector<1x32x640xi32>
    %reduce_sum3A_941 = arith.constant dense<0> : vector<1xi32>
    %reduce_sum3A_942 = vector.multi_reduction <add>, %reduce_sum3A_940, %reduce_sum3A_941 [1, 2] : vector<1x32x640xi32> to vector<1xi32>
    %reduce_sum3A_943 = vector.shape_cast %reduce_sum3A_942 : vector<1xi32> to vector<1x1x1xi32>
    %reduce_sum3A_944 = vector.extract %reduce_sum3A_943[0, 0, 0] : i32 from vector<1x1x1xi32>
    %or3A_945 = arith.constant 256 : i32
    %or3A_946 = arith.ori %select_n3A_922, %or3A_945 : i32
    %or3A_947 = arith.constant 128 : i32
    %or3A_948 = arith.ori %or3A_946, %or3A_947 : i32
    %lt3A_949 = vector.broadcast %or3A_948 : i32 to vector<32x640xi32>
    %lt3A_950 = arith.cmpi slt, %add3A_770, %lt3A_949 : vector<32x640xi32>
    %and3A_951 = arith.andi %eq3A_766, %lt3A_950 : vector<32x640xi1>
    %convert_element_type3A_952 = arith.extui %and3A_951 : vector<32x640xi1> to vector<32x640xi32>
    %reduce_sum3A_953 = vector.shape_cast %convert_element_type3A_952 : vector<32x640xi32> to vector<1x32x640xi32>
    %reduce_sum3A_954 = arith.constant dense<0> : vector<1xi32>
    %reduce_sum3A_955 = vector.multi_reduction <add>, %reduce_sum3A_953, %reduce_sum3A_954 [1, 2] : vector<1x32x640xi32> to vector<1xi32>
    %reduce_sum3A_956 = vector.shape_cast %reduce_sum3A_955 : vector<1xi32> to vector<1x1x1xi32>
    %reduce_sum3A_957 = vector.extract %reduce_sum3A_956[0, 0, 0] : i32 from vector<1x1x1xi32>
    %lt3A_958 = arith.cmpi slt, %reduce_sum3A_933, %sub3A_765 : i32
    %lt3A_959 = arith.cmpi slt, %reduce_sum3A_957, %sub3A_765 : i32
    %or3A_960 = arith.constant 256 : i32
    %or3A_961 = arith.ori %select_n3A_922, %or3A_960 : i32
    %or3A_962 = arith.constant 128 : i32
    %or3A_963 = arith.ori %or3A_961, %or3A_962 : i32
    %or3A_964 = arith.constant 256 : i32
    %or3A_965 = arith.ori %select_n3A_922, %or3A_964 : i32
    %select_n3A_966 = arith.select %lt3A_959, %or3A_963, %or3A_965 : i32
    %lt3A_967 = arith.cmpi slt, %reduce_sum3A_944, %sub3A_765 : i32
    %or3A_968 = arith.constant 128 : i32
    %or3A_969 = arith.ori %select_n3A_922, %or3A_968 : i32
    %select_n3A_970 = arith.select %lt3A_967, %or3A_969, %select_n3A_922 : i32
    %select_n3A_971 = arith.select %lt3A_958, %select_n3A_966, %select_n3A_970 : i32
    %or3A_972 = arith.constant 64 : i32
    %or3A_973 = arith.ori %select_n3A_971, %or3A_972 : i32
    %lt3A_974 = vector.broadcast %or3A_973 : i32 to vector<32x640xi32>
    %lt3A_975 = arith.cmpi slt, %add3A_770, %lt3A_974 : vector<32x640xi32>
    %and3A_976 = arith.andi %eq3A_766, %lt3A_975 : vector<32x640xi1>
    %convert_element_type3A_977 = arith.extui %and3A_976 : vector<32x640xi1> to vector<32x640xi32>
    %reduce_sum3A_978 = vector.shape_cast %convert_element_type3A_977 : vector<32x640xi32> to vector<1x32x640xi32>
    %reduce_sum3A_979 = arith.constant dense<0> : vector<1xi32>
    %reduce_sum3A_980 = vector.multi_reduction <add>, %reduce_sum3A_978, %reduce_sum3A_979 [1, 2] : vector<1x32x640xi32> to vector<1xi32>
    %reduce_sum3A_981 = vector.shape_cast %reduce_sum3A_980 : vector<1xi32> to vector<1x1x1xi32>
    %reduce_sum3A_982 = vector.extract %reduce_sum3A_981[0, 0, 0] : i32 from vector<1x1x1xi32>
    %or3A_983 = arith.constant 32 : i32
    %or3A_984 = arith.ori %select_n3A_971, %or3A_983 : i32
    %lt3A_985 = vector.broadcast %or3A_984 : i32 to vector<32x640xi32>
    %lt3A_986 = arith.cmpi slt, %add3A_770, %lt3A_985 : vector<32x640xi32>
    %and3A_987 = arith.andi %eq3A_766, %lt3A_986 : vector<32x640xi1>
    %convert_element_type3A_988 = arith.extui %and3A_987 : vector<32x640xi1> to vector<32x640xi32>
    %reduce_sum3A_989 = vector.shape_cast %convert_element_type3A_988 : vector<32x640xi32> to vector<1x32x640xi32>
    %reduce_sum3A_990 = arith.constant dense<0> : vector<1xi32>
    %reduce_sum3A_991 = vector.multi_reduction <add>, %reduce_sum3A_989, %reduce_sum3A_990 [1, 2] : vector<1x32x640xi32> to vector<1xi32>
    %reduce_sum3A_992 = vector.shape_cast %reduce_sum3A_991 : vector<1xi32> to vector<1x1x1xi32>
    %reduce_sum3A_993 = vector.extract %reduce_sum3A_992[0, 0, 0] : i32 from vector<1x1x1xi32>
    %or3A_994 = arith.constant 64 : i32
    %or3A_995 = arith.ori %select_n3A_971, %or3A_994 : i32
    %or3A_996 = arith.constant 32 : i32
    %or3A_997 = arith.ori %or3A_995, %or3A_996 : i32
    %lt3A_998 = vector.broadcast %or3A_997 : i32 to vector<32x640xi32>
    %lt3A_999 = arith.cmpi slt, %add3A_770, %lt3A_998 : vector<32x640xi32>
    %and3A_1000 = arith.andi %eq3A_766, %lt3A_999 : vector<32x640xi1>
    %convert_element_type3A_1001 = arith.extui %and3A_1000 : vector<32x640xi1> to vector<32x640xi32>
    %reduce_sum3A_1002 = vector.shape_cast %convert_element_type3A_1001 : vector<32x640xi32> to vector<1x32x640xi32>
    %reduce_sum3A_1003 = arith.constant dense<0> : vector<1xi32>
    %reduce_sum3A_1004 = vector.multi_reduction <add>, %reduce_sum3A_1002, %reduce_sum3A_1003 [1, 2] : vector<1x32x640xi32> to vector<1xi32>
    %reduce_sum3A_1005 = vector.shape_cast %reduce_sum3A_1004 : vector<1xi32> to vector<1x1x1xi32>
    %reduce_sum3A_1006 = vector.extract %reduce_sum3A_1005[0, 0, 0] : i32 from vector<1x1x1xi32>
    %lt3A_1007 = arith.cmpi slt, %reduce_sum3A_982, %sub3A_765 : i32
    %lt3A_1008 = arith.cmpi slt, %reduce_sum3A_1006, %sub3A_765 : i32
    %or3A_1009 = arith.constant 64 : i32
    %or3A_1010 = arith.ori %select_n3A_971, %or3A_1009 : i32
    %or3A_1011 = arith.constant 32 : i32
    %or3A_1012 = arith.ori %or3A_1010, %or3A_1011 : i32
    %or3A_1013 = arith.constant 64 : i32
    %or3A_1014 = arith.ori %select_n3A_971, %or3A_1013 : i32
    %select_n3A_1015 = arith.select %lt3A_1008, %or3A_1012, %or3A_1014 : i32
    %lt3A_1016 = arith.cmpi slt, %reduce_sum3A_993, %sub3A_765 : i32
    %or3A_1017 = arith.constant 32 : i32
    %or3A_1018 = arith.ori %select_n3A_971, %or3A_1017 : i32
    %select_n3A_1019 = arith.select %lt3A_1016, %or3A_1018, %select_n3A_971 : i32
    %select_n3A_1020 = arith.select %lt3A_1007, %select_n3A_1015, %select_n3A_1019 : i32
    %or3A_1021 = arith.constant 16 : i32
    %or3A_1022 = arith.ori %select_n3A_1020, %or3A_1021 : i32
    %lt3A_1023 = vector.broadcast %or3A_1022 : i32 to vector<32x640xi32>
    %lt3A_1024 = arith.cmpi slt, %add3A_770, %lt3A_1023 : vector<32x640xi32>
    %and3A_1025 = arith.andi %eq3A_766, %lt3A_1024 : vector<32x640xi1>
    %convert_element_type3A_1026 = arith.extui %and3A_1025 : vector<32x640xi1> to vector<32x640xi32>
    %reduce_sum3A_1027 = vector.shape_cast %convert_element_type3A_1026 : vector<32x640xi32> to vector<1x32x640xi32>
    %reduce_sum3A_1028 = arith.constant dense<0> : vector<1xi32>
    %reduce_sum3A_1029 = vector.multi_reduction <add>, %reduce_sum3A_1027, %reduce_sum3A_1028 [1, 2] : vector<1x32x640xi32> to vector<1xi32>
    %reduce_sum3A_1030 = vector.shape_cast %reduce_sum3A_1029 : vector<1xi32> to vector<1x1x1xi32>
    %reduce_sum3A_1031 = vector.extract %reduce_sum3A_1030[0, 0, 0] : i32 from vector<1x1x1xi32>
    %or3A_1032 = arith.constant 8 : i32
    %or3A_1033 = arith.ori %select_n3A_1020, %or3A_1032 : i32
    %lt3A_1034 = vector.broadcast %or3A_1033 : i32 to vector<32x640xi32>
    %lt3A_1035 = arith.cmpi slt, %add3A_770, %lt3A_1034 : vector<32x640xi32>
    %and3A_1036 = arith.andi %eq3A_766, %lt3A_1035 : vector<32x640xi1>
    %convert_element_type3A_1037 = arith.extui %and3A_1036 : vector<32x640xi1> to vector<32x640xi32>
    %reduce_sum3A_1038 = vector.shape_cast %convert_element_type3A_1037 : vector<32x640xi32> to vector<1x32x640xi32>
    %reduce_sum3A_1039 = arith.constant dense<0> : vector<1xi32>
    %reduce_sum3A_1040 = vector.multi_reduction <add>, %reduce_sum3A_1038, %reduce_sum3A_1039 [1, 2] : vector<1x32x640xi32> to vector<1xi32>
    %reduce_sum3A_1041 = vector.shape_cast %reduce_sum3A_1040 : vector<1xi32> to vector<1x1x1xi32>
    %reduce_sum3A_1042 = vector.extract %reduce_sum3A_1041[0, 0, 0] : i32 from vector<1x1x1xi32>
    %or3A_1043 = arith.constant 16 : i32
    %or3A_1044 = arith.ori %select_n3A_1020, %or3A_1043 : i32
    %or3A_1045 = arith.constant 8 : i32
    %or3A_1046 = arith.ori %or3A_1044, %or3A_1045 : i32
    %lt3A_1047 = vector.broadcast %or3A_1046 : i32 to vector<32x640xi32>
    %lt3A_1048 = arith.cmpi slt, %add3A_770, %lt3A_1047 : vector<32x640xi32>
    %and3A_1049 = arith.andi %eq3A_766, %lt3A_1048 : vector<32x640xi1>
    %convert_element_type3A_1050 = arith.extui %and3A_1049 : vector<32x640xi1> to vector<32x640xi32>
    %reduce_sum3A_1051 = vector.shape_cast %convert_element_type3A_1050 : vector<32x640xi32> to vector<1x32x640xi32>
    %reduce_sum3A_1052 = arith.constant dense<0> : vector<1xi32>
    %reduce_sum3A_1053 = vector.multi_reduction <add>, %reduce_sum3A_1051, %reduce_sum3A_1052 [1, 2] : vector<1x32x640xi32> to vector<1xi32>
    %reduce_sum3A_1054 = vector.shape_cast %reduce_sum3A_1053 : vector<1xi32> to vector<1x1x1xi32>
    %reduce_sum3A_1055 = vector.extract %reduce_sum3A_1054[0, 0, 0] : i32 from vector<1x1x1xi32>
    %lt3A_1056 = arith.cmpi slt, %reduce_sum3A_1031, %sub3A_765 : i32
    %lt3A_1057 = arith.cmpi slt, %reduce_sum3A_1055, %sub3A_765 : i32
    %or3A_1058 = arith.constant 16 : i32
    %or3A_1059 = arith.ori %select_n3A_1020, %or3A_1058 : i32
    %or3A_1060 = arith.constant 8 : i32
    %or3A_1061 = arith.ori %or3A_1059, %or3A_1060 : i32
    %or3A_1062 = arith.constant 16 : i32
    %or3A_1063 = arith.ori %select_n3A_1020, %or3A_1062 : i32
    %select_n3A_1064 = arith.select %lt3A_1057, %or3A_1061, %or3A_1063 : i32
    %lt3A_1065 = arith.cmpi slt, %reduce_sum3A_1042, %sub3A_765 : i32
    %or3A_1066 = arith.constant 8 : i32
    %or3A_1067 = arith.ori %select_n3A_1020, %or3A_1066 : i32
    %select_n3A_1068 = arith.select %lt3A_1065, %or3A_1067, %select_n3A_1020 : i32
    %select_n3A_1069 = arith.select %lt3A_1056, %select_n3A_1064, %select_n3A_1068 : i32
    %or3A_1070 = arith.constant 4 : i32
    %or3A_1071 = arith.ori %select_n3A_1069, %or3A_1070 : i32
    %lt3A_1072 = vector.broadcast %or3A_1071 : i32 to vector<32x640xi32>
    %lt3A_1073 = arith.cmpi slt, %add3A_770, %lt3A_1072 : vector<32x640xi32>
    %and3A_1074 = arith.andi %eq3A_766, %lt3A_1073 : vector<32x640xi1>
    %convert_element_type3A_1075 = arith.extui %and3A_1074 : vector<32x640xi1> to vector<32x640xi32>
    %reduce_sum3A_1076 = vector.shape_cast %convert_element_type3A_1075 : vector<32x640xi32> to vector<1x32x640xi32>
    %reduce_sum3A_1077 = arith.constant dense<0> : vector<1xi32>
    %reduce_sum3A_1078 = vector.multi_reduction <add>, %reduce_sum3A_1076, %reduce_sum3A_1077 [1, 2] : vector<1x32x640xi32> to vector<1xi32>
    %reduce_sum3A_1079 = vector.shape_cast %reduce_sum3A_1078 : vector<1xi32> to vector<1x1x1xi32>
    %reduce_sum3A_1080 = vector.extract %reduce_sum3A_1079[0, 0, 0] : i32 from vector<1x1x1xi32>
    %or3A_1081 = arith.constant 2 : i32
    %or3A_1082 = arith.ori %select_n3A_1069, %or3A_1081 : i32
    %lt3A_1083 = vector.broadcast %or3A_1082 : i32 to vector<32x640xi32>
    %lt3A_1084 = arith.cmpi slt, %add3A_770, %lt3A_1083 : vector<32x640xi32>
    %and3A_1085 = arith.andi %eq3A_766, %lt3A_1084 : vector<32x640xi1>
    %convert_element_type3A_1086 = arith.extui %and3A_1085 : vector<32x640xi1> to vector<32x640xi32>
    %reduce_sum3A_1087 = vector.shape_cast %convert_element_type3A_1086 : vector<32x640xi32> to vector<1x32x640xi32>
    %reduce_sum3A_1088 = arith.constant dense<0> : vector<1xi32>
    %reduce_sum3A_1089 = vector.multi_reduction <add>, %reduce_sum3A_1087, %reduce_sum3A_1088 [1, 2] : vector<1x32x640xi32> to vector<1xi32>
    %reduce_sum3A_1090 = vector.shape_cast %reduce_sum3A_1089 : vector<1xi32> to vector<1x1x1xi32>
    %reduce_sum3A_1091 = vector.extract %reduce_sum3A_1090[0, 0, 0] : i32 from vector<1x1x1xi32>
    %or3A_1092 = arith.constant 4 : i32
    %or3A_1093 = arith.ori %select_n3A_1069, %or3A_1092 : i32
    %or3A_1094 = arith.constant 2 : i32
    %or3A_1095 = arith.ori %or3A_1093, %or3A_1094 : i32
    %lt3A_1096 = vector.broadcast %or3A_1095 : i32 to vector<32x640xi32>
    %lt3A_1097 = arith.cmpi slt, %add3A_770, %lt3A_1096 : vector<32x640xi32>
    %and3A_1098 = arith.andi %eq3A_766, %lt3A_1097 : vector<32x640xi1>
    %convert_element_type3A_1099 = arith.extui %and3A_1098 : vector<32x640xi1> to vector<32x640xi32>
    %reduce_sum3A_1100 = vector.shape_cast %convert_element_type3A_1099 : vector<32x640xi32> to vector<1x32x640xi32>
    %reduce_sum3A_1101 = arith.constant dense<0> : vector<1xi32>
    %reduce_sum3A_1102 = vector.multi_reduction <add>, %reduce_sum3A_1100, %reduce_sum3A_1101 [1, 2] : vector<1x32x640xi32> to vector<1xi32>
    %reduce_sum3A_1103 = vector.shape_cast %reduce_sum3A_1102 : vector<1xi32> to vector<1x1x1xi32>
    %reduce_sum3A_1104 = vector.extract %reduce_sum3A_1103[0, 0, 0] : i32 from vector<1x1x1xi32>
    %lt3A_1105 = arith.cmpi slt, %reduce_sum3A_1080, %sub3A_765 : i32
    %lt3A_1106 = arith.cmpi slt, %reduce_sum3A_1104, %sub3A_765 : i32
    %or3A_1107 = arith.constant 4 : i32
    %or3A_1108 = arith.ori %select_n3A_1069, %or3A_1107 : i32
    %or3A_1109 = arith.constant 2 : i32
    %or3A_1110 = arith.ori %or3A_1108, %or3A_1109 : i32
    %or3A_1111 = arith.constant 4 : i32
    %or3A_1112 = arith.ori %select_n3A_1069, %or3A_1111 : i32
    %select_n3A_1113 = arith.select %lt3A_1106, %or3A_1110, %or3A_1112 : i32
    %lt3A_1114 = arith.cmpi slt, %reduce_sum3A_1091, %sub3A_765 : i32
    %or3A_1115 = arith.constant 2 : i32
    %or3A_1116 = arith.ori %select_n3A_1069, %or3A_1115 : i32
    %select_n3A_1117 = arith.select %lt3A_1114, %or3A_1116, %select_n3A_1069 : i32
    %select_n3A_1118 = arith.select %lt3A_1105, %select_n3A_1113, %select_n3A_1117 : i32
    %or3A_1119 = arith.constant 1 : i32
    %or3A_1120 = arith.ori %select_n3A_1118, %or3A_1119 : i32
    %lt3A_1121 = vector.broadcast %or3A_1120 : i32 to vector<32x640xi32>
    %lt3A_1122 = arith.cmpi slt, %add3A_770, %lt3A_1121 : vector<32x640xi32>
    %and3A_1123 = arith.andi %eq3A_766, %lt3A_1122 : vector<32x640xi1>
    %convert_element_type3A_1124 = arith.extui %and3A_1123 : vector<32x640xi1> to vector<32x640xi32>
    %reduce_sum3A_1125 = vector.shape_cast %convert_element_type3A_1124 : vector<32x640xi32> to vector<1x32x640xi32>
    %reduce_sum3A_1126 = arith.constant dense<0> : vector<1xi32>
    %reduce_sum3A_1127 = vector.multi_reduction <add>, %reduce_sum3A_1125, %reduce_sum3A_1126 [1, 2] : vector<1x32x640xi32> to vector<1xi32>
    %reduce_sum3A_1128 = vector.shape_cast %reduce_sum3A_1127 : vector<1xi32> to vector<1x1x1xi32>
    %reduce_sum3A_1129 = vector.extract %reduce_sum3A_1128[0, 0, 0] : i32 from vector<1x1x1xi32>
    %lt3A_1130 = arith.cmpi slt, %reduce_sum3A_1129, %sub3A_765 : i32
    %select_n3A_1131 = arith.select %lt3A_1130, %or3A_1120, %select_n3A_1118 : i32
    %gt3A_1132 = vector.broadcast %select_n3A_756 : i32 to vector<32x640xi32>
    %gt3A_1133 = arith.cmpi sgt, %bitcast_convert_type3A, %gt3A_1132 : vector<32x640xi32>
    %le3A = vector.broadcast %select_n3A_1131 : i32 to vector<32x640xi32>
    %le3A_1134 = arith.cmpi sle, %add3A_770, %le3A : vector<32x640xi32>
    %and3A_1135 = arith.andi %eq3A_766, %le3A_1134 : vector<32x640xi1>
    %or3A_1136 = arith.ori %gt3A_1133, %and3A_1135 : vector<32x640xi1>
    %convert_element_type3A_1137 = arith.extui %or3A_1136 : vector<32x640xi1> to vector<32x640xi32>
    %convert_element_type3A_1138 = arith.sitofp %convert_element_type3A_1137 : vector<32x640xi32> to vector<32x640xf32>
    %mul3A_1139 = arith.mulf %sub3A, %convert_element_type3A_1138 : vector<32x640xf32>
    %reduce_sum3A_1140 = vector.shape_cast %mul3A_1139 : vector<32x640xf32> to vector<1x32x640xf32>
    %reduce_sum3A_1141 = arith.constant dense<0.000000e+00> : vector<1xf32>
    %reduce_sum3A_1142 = vector.multi_reduction <add>, %reduce_sum3A_1140, %reduce_sum3A_1141 [1, 2] : vector<1x32x640xf32> to vector<1xf32>
    %reduce_sum3A_1143 = vector.shape_cast %reduce_sum3A_1142 : vector<1xf32> to vector<1x1x1xf32>
    %reduce_sum3A_1144 = vector.extract %reduce_sum3A_1143[0, 0, 0] : f32 from vector<1x1x1xf32>
    %broadcast_in_dim3A = vector.broadcast %reduce_sum3A_1144 : f32 to vector<1x1xf32>
    %swap3A = arith.constant 0 : index
    %swap3A_1145 = arith.constant 0 : index
    %swap3A_1146 = vector.load %arg3[%swap3A, %swap3A_1145] : memref<1x1xf32, #tpu.memory_space<vmem>>, vector<1x1xf32>
    tpu.vector_store %arg3[%swap3A, %swap3A_1145], %broadcast_in_dim3A {strides = array<i32>} : memref<1x1xf32, #tpu.memory_space<vmem>>, vector<1x1xf32>,
    %mul3A_1147 = arith.mulf %get3A_7, %convert_element_type3A_1138 : vector<32x640xf32>
    %reduce_sum3A_1148 = vector.shape_cast %mul3A_1147 : vector<32x640xf32> to vector<1x32x640xf32>
    %reduce_sum3A_1149 = arith.constant dense<0.000000e+00> : vector<1xf32>
    %reduce_sum3A_1150 = vector.multi_reduction <add>, %reduce_sum3A_1148, %reduce_sum3A_1149 [1, 2] : vector<1x32x640xf32> to vector<1xf32>
    %reduce_sum3A_1151 = vector.shape_cast %reduce_sum3A_1150 : vector<1xf32> to vector<1x1x1xf32>
    %reduce_sum3A_1152 = vector.extract %reduce_sum3A_1151[0, 0, 0] : f32 from vector<1x1x1xf32>
    %broadcast_in_dim3A_1153 = vector.broadcast %reduce_sum3A_1152 : f32 to vector<1x1xf32>
    %swap3A_1154 = arith.constant 0 : index
    %swap3A_1155 = arith.constant 0 : index
    %swap3A_1156 = vector.load %arg4[%swap3A_1154, %swap3A_1155] : memref<1x1xf32, #tpu.memory_space<vmem>>, vector<1x1xf32>
    tpu.vector_store %arg4[%swap3A_1154, %swap3A_1155], %broadcast_in_dim3A_1153 {strides = array<i32>} : memref<1x1xf32, #tpu.memory_space<vmem>>, vector<1x1xf32>,
    return
  }
}

</mosaic_0001>

<sc_bundles>
// kernel: kernel.4.cloned.1.call-start
scs
__scs_entry_jumppad:
0x0: {  	(pc) =	sbr.rel $0x88, $3  }
0x1: {  	(tag) =	ssettag $0x0;
	lr =	simm.s32 $0x1  }
0x2: {  	[smem:$0x3F9C] =	sst lr;
	_ =	strace $0xD0000000  }
0x3: {  	_ = 	snop  }
0x4: {  	_ = 	snop  }
0x5: {  	_ = 	snop  }
0x6: {  	_ = 	snop  }
0x7: {  	_ = 	snop  }
__scs_overlays_trampoline_lowered:
0x8: {  	[smem:$0x3FAB] =	sst s0  }
0x9: {  	[smem:$0x3FAC] =	sst s1  }
0xa: {  	[smem:$0x3FAD] =	sst s2  }
0xb: {  	[smem:$0x3FAE] =	sst s3  }
0xc: {  	[smem:$0x3FAF] =	sst s4  }
0xd: {  	[smem:$0x3FB0] =	sst s5  }
0xe: {  	[smem:$0x3FB1] =	sst s6  }
0xf: {  	[smem:$0x3FB2] =	sst s7  }
0x10: {  	[smem:$0x3FB3] =	sst s8  }
0x11: {  	[smem:$0x3FB4] =	sst s9;
	s0 =	simm.s32 @!p0 $0x0  }
0x12: {  	s1 =	sld [smem:$0x3F9A];
	s0 =	simm.s32 @p0 $0x1  }
0x13: {  	[smem:$0x3FB5] =	sst s0;
	s0 =	simm.s32 @!p1 $0x0  }
0x14: {  	s2 =	sld [smem:$0x3F99];
	s0 =	simm.s32 @p1 $0x1  }
0x15: {  	[smem:$0x3FB6] =	sst s0;
	s0 =	simm.s32 @!p2 $0x0  }
0x16: {  	s3 =	sld [smem:$0x3FDB];
	s0 =	simm.s32 @p2 $0x1  }
0x17: {  	s4 =	simm.s32 $0x1BF5;
	[smem:$0x3FB8] =	sst s0  }
0x18: {  	s0 =	sld [smem:$0x3F9B];
	_ =	swait.ge [sflag:s4], $0x0  }
0x19: {  	s7 =	sld [smem:$0x3F9C]  }
0x1a: {  	s8 =	sadd.s32 $0xFFFFE003, lr  }
0x1b: {  	s9 =	sadd.s32 $0xFFFFFEF7, lr;
	s5 =	simm.s32 $0xFFFFFFFF;
	p2 =	slt.u32 s8, $0xFFFFF086  }
0x1c: {  	p1 =	slt.u32 s9, $0xF7A;
	s5 =	simm.s32 @!p2 $0x0  }
0x1d: {  	s5 =	simm.s32 @p1 $0x1;
	p0 =	seq.s32 s7, s2  }
0x1e: {  	s7 =	smul.u32 @!p0 $0xF7A, s2;
	p2 =	seq.s32 @!p0 s5, $0x0  }
0x1f: {  	s9 =	smul.u32 $0xF7A, s1;
	s8 =	simm.s32 @!p0 $0x1BF5;
	p2 =	por !p2, p0  }
0x20: {  	[sflag:s8] =	ssyncset.s32 @!p0 $0xFFFFF086;
	s6 =	sadd.s32 @!p0 s3, s7;
	s7 =	simm.s32 @!p0 $0x108  }
0x21: {  	s3 =	sadd.s32 s3, s9;
	s6 =	sadd.s32 @!p0 $0x88, s6;
	s7 =	simm.s32 @p2 $0x1082  }
0x22: {  	[simem:s7], [sflag:s8] =	dma.local @!p0 [hbm:s6], $0xF7A  }
0x23: {  	s9 =	sor.u32 $0xD0000000, s2;
	s6 =	simm.s32 $0x108;
	_ =	swait.ge @!p0 [sflag:s8], $0x0  }
0x24: {  	s3 =	sadd.s32 $0x88, s3;
	s6 =	simm.s32 @!p1 $0x1082;
	[sflag:s4] =	ssyncset.s32 $0xFFFFF086  }
0x25: {  	[simem:s6], [sflag:s4] =	dma.local [hbm:s3], $0xF7A  }
0x26: {  	[smem:$0x3F9C] =	sst s1;
	(tag) =	ssettag s2;
	_ =	strace s9  }
0x27: {  	s1 =	sld [smem:$0x3FAC]  }
0x28: {  	s2 =	sld [smem:$0x3FAD]  }
0x29: {  	s4 =	sld [smem:$0x3FAF]  }
0x2a: {  	p0 =	seq.s32 s5, $0x0;
	s5 =	sld [smem:$0x3FB0]  }
0x2b: {  	s6 =	sld [smem:$0x3FB1]  }
0x2c: {  	s7 =	sld [smem:$0x3FB2]  }
0x2d: {  	s3 =	simm.s32 $0x108;
	s8 =	sld [smem:$0x3FB3]  }
0x2e: {  	s3 =	simm.s32 @!p0 $0x1082;
	s9 =	sld [smem:$0x3FB4]  }
0x2f: {  	lr =	sadd.s32 s0, s3;
	s0 =	sld [smem:$0x3FAB]  }
0x30: {  	s3 =	sld [smem:$0x3FAE]  }
0x31: {  	[smem:$0x3FB7] =	sst s10  }
0x32: {  	s10 =	sld [smem:$0x3FB5];
	_ =	sdelay $0x3  }
0x33: {  	p0 =	seq.s32 s10, $0x1;
	s10 =	sld [smem:$0x3FB7];
	_ =	sdelay $0x3  }
0x34: {  	[smem:$0x3FB7] =	sst s10  }
0x35: {  	s10 =	sld [smem:$0x3FB6];
	_ =	sdelay $0x3  }
0x36: {  	p1 =	seq.s32 s10, $0x1;
	s10 =	sld [smem:$0x3FB7];
	_ =	sdelay $0x3  }
0x37: {  	[smem:$0x3FB7] =	sst s10  }
0x38: {  	s10 =	sld [smem:$0x3FB8]  }
0x39: {  	_ = 	snop;
	(pc) =	sbr.ind lr, $3  }
0x3a: {  	_ = 	snop  }
0x3b: {  	_ = 	snop  }
0x3c: {  	p2 =	seq.s32 s10, $0x1;
	s10 =	sld [smem:$0x3FB7]  }
0x3d: {  	_ =	shalt  }
0x3e: {  	_ =	shalt  }
0x3f: {  	_ =	shalt  }
0x40: {  	_ =	shalt  }
0x41: {  	_ =	shalt  }
0x42: {  	_ =	shalt  }
0x43: {  	_ =	shalt  }
0x44: {  	_ =	shalt  }
0x45: {  	_ =	shalt  }
0x46: {  	_ =	shalt  }
0x47: {  	_ =	shalt  }
0x48: {  	_ =	shalt  }
0x49: {  	_ =	shalt  }
0x4a: {  	_ =	shalt  }
0x4b: {  	_ =	shalt  }
0x4c: {  	_ =	shalt  }
0x4d: {  	_ =	shalt  }
0x4e: {  	_ =	shalt  }
0x4f: {  	_ =	shalt  }
0x50: {  	_ =	shalt  }
0x51: {  	_ =	shalt  }
0x52: {  	_ =	shalt  }
0x53: {  	_ =	shalt  }
0x54: {  	_ =	shalt  }
0x55: {  	_ =	shalt  }
0x56: {  	_ =	shalt  }
0x57: {  	_ =	shalt  }
0x58: {  	_ =	shalt  }
0x59: {  	_ =	shalt  }
0x5a: {  	_ =	shalt  }
0x5b: {  	_ =	shalt  }
0x5c: {  	_ =	shalt  }
0x5d: {  	_ =	shalt  }
0x5e: {  	_ =	shalt  }
0x5f: {  	_ =	shalt  }
0x60: {  	_ =	shalt  }
0x61: {  	_ =	shalt  }
0x62: {  	_ =	shalt  }
0x63: {  	_ =	shalt  }
0x64: {  	_ =	shalt  }
0x65: {  	_ =	shalt  }
0x66: {  	_ =	shalt  }
0x67: {  	_ =	shalt  }
0x68: {  	_ =	shalt  }
0x69: {  	_ =	shalt  }
0x6a: {  	_ =	shalt  }
0x6b: {  	_ =	shalt  }
0x6c: {  	_ =	shalt  }
0x6d: {  	_ =	shalt  }
0x6e: {  	_ =	shalt  }
0x6f: {  	_ =	shalt  }
0x70: {  	_ =	shalt  }
0x71: {  	_ =	shalt  }
0x72: {  	_ =	shalt  }
0x73: {  	_ =	shalt  }
0x74: {  	_ =	shalt  }
0x75: {  	_ =	shalt  }
0x76: {  	_ =	shalt  }
0x77: {  	_ =	shalt  }
0x78: {  	_ =	shalt  }
0x79: {  	_ =	shalt  }
0x7a: {  	_ =	shalt  }
0x7b: {  	_ =	shalt  }
0x7c: {  	_ =	shalt  }
0x7d: {  	_ =	shalt  }
0x7e: {  	_ =	shalt  }
0x7f: {  	_ =	shalt  }
0x80: {  	_ =	shalt  }
0x81: {  	_ =	shalt  }
0x82: {  	_ =	shalt  }
0x83: {  	_ =	shalt  }
0x84: {  	_ =	shalt  }
0x85: {  	_ =	shalt  }
0x86: {  	_ =	shalt  }
0x87: {  	_ =	shalt  }
.Lfunc_end0:
.L_simem_size_0:
called_computation_lowered:
.L_overlay_start_0:
0x88: {  	s2 =	sld [smem:$0x3FD9]  }
0x89: {  	s3 =	sld [smem:$0x3FFE];
	_ =	sdelay $0x1  }
0x8a: {  	s1 =	srdreg.scid  }
0x8b: {  	s0 =	sand.u32 $0x1, s1  }
0x8c: {  	s17 =	sshll.u32 s0, $0xA;
	s2 =	sadd.s32 s3, s2  }
0x8d: {  	s2 =	sadd.s32 s2, s17  }
0x8e: {  	[smem:$0x3FC3] =	sst s2  }
0x8f: {  	_ = 	snop  }
0x90: {  	s2 =	sld [smem:$0x3FC7];
	(tm) =	ssettm $0x1  }
0x91: {  	s18 =	sld [smem:$0x3FFB];
	_ =	sdelay $0x3  }
0x92: {  	_ =	strace s18  }
0x93: {  	s3 =	sld [smem:$0x3FFC];
	_ =	sdelay $0x3  }
0x94: {  	_ =	strace s3  }
0x95: {  	s3 =	sld [smem:$0x3FFD];
	_ =	sdelay $0x3  }
0x96: {  	_ =	strace s3  }
0x97: {  	_ =	strace $0x8FFFFFFF  }
0x98: {  	s19 =	sld [smem:$0x3FDB];
	_ =	sdelay $0x1  }
0x99: {  	s4 =	simm.s32 $_scs_section_size  }
0x9a: {  	s5 =	simm.s32 $_size__tile_overlayer_lowered;
	s6 =	simm.s32 $_tile_overlayer_lowered  }
0x9b: {  	s22 =	simm.s32 $0x1BFF;
	s21 =	sshll.u32 s6, $0x1;
	s3 =	sadd.s32 s4, s19  }
0x9c: {  	s7 =	simm.s32 $0x0;
	s20 =	sshll.u32 s5, $0x1;
	s5 =	sadd.s32 s21, s3  }
0x9d: {  	[timem:s7], [sflag:s22] =	dma.local [hbm:s5], s20  }
0x9e: {  	_ =	swait.ge [sflag:s22], s20  }
0x9f: {  	s4 =	ssub.s32 $0x0, s20;
	[sflag:s22] =	ssyncset.done $0x0  }
0xa0: {  	[sflag:s22] =	ssyncadd.s32 s4;
	_ =	sdelay $0x1  }
0xa1: {  	s23 =	simm.s32 $0x1B8B  }
0xa2: {  	_ =	swait.ge [sflag:s23], $0x1  }
0xa3: {  	[sflag:s23] =	ssyncset.done $0x0  }
0xa4: {  	s25 =	simm.s32 $0x1B8E;
	s24 =	sld [smem:$0x3FFE];
	[sflag:s23] =	ssyncadd.s32 $0xFFFFFFFF  }
0xa5: {  	s26 =	simm.s32 $execute0_lowered;
	[smem:$0x3FD2] =	sst s25  }
0xa6: {  	s5 =	sshll.u32 s26, $0x1;
	_ =	strace $0x80000046;
	[dreg:$0x1] =	wrdreg $0xFFFFFFFF  }
0xa7: {  	s28 =	simm.s32 $_size_execute0_lowered;
	s3 =	sadd.s32 s3, s5;
	[dreg:$0x0] =	wrdreg $0x0  }
0xa8: {  	s5 =	sshll.u32 s28, $0x1;
	[dreg:$0x2] =	wrdreg s3  }
0xa9: {  	[dreg:$0x3] =	wrdreg s5  }
0xaa: {  	[dreg:$0x4] =	wrdreg $0xC0  }
0xab: {  	_ =	task [dreg:s7], $0x5FFFF  }
0xac: {  	[dreg:$0x1] =	wrdreg $0xFFFFFFFF  }
0xad: {  	[dreg:$0x0] =	wrdreg $0x60  }
0xae: {  	[dreg:$0x2] =	wrdreg s24  }
0xaf: {  	[dreg:$0x3] =	wrdreg s2  }
0xb0: {  	[dreg:$0x4] =	wrdreg $0x9  }
0xb1: {  	_ =	task.clear_ibuf [dreg:s7], $0x5FFFF;
	_ =	strace $0x90000046  }
0xb2: {  	s29 =	simm.s32 $0x9;
	_ =	strace $0x80000048  }
0xb3: {  	_ =	swait.ge [sflag:s29], $0x1  }
0xb4: {  	[sflag:s29] =	ssyncadd.s32 $0xFFFFFFFF  }
0xb5: {  	_ =	strace $0x90000048  }
0xb6: {  	_ =	sfence  }
0xb7: {  	s30 =	sld [smem:$0x0];
	_ =	sdelay $0x2  }
0xb8: {  	s31 =	sshll.u32 s1, $0xD;
	s1 =	sshrl.u32 s1, $0x2  }
0xb9: {  	s3 =	sand.u32 $0x4000, s31;
	s1 =	sadd.s32 s1, s30  }
0xba: {  	s0 =	sor.u32 s3, s0;
	s1 =	sshll.u32 s1, $0x11  }
0xbb: {  	s0 =	sor.u32 s1, s0  }
0xbc: {  	s0 =	sadd.s32 $0x8F2B, s0  }
0xbd: {  	[sflag:s0] =	ssyncadd.remote.s32 $0x1  }
0xbe: {  	_ =	sfence.sel $0xFFFF  }
0xbf: {  	[dreg:$0x0] =	wrdreg $0xFFFFFFFF;
	(pc) =	sbr.abs _section_cstart, $3  }
0xc0: {  	[dreg:$0x1] =	wrdreg $0xFFFFFFFF  }
0xc1: {  	_ =	task.clear_ibuf [dreg:s7], $0x2FFFF;
	_ =	strace $0x9FFFFFFF  }
0xc2: {  	(tm) =	ssettm $0x7FFFFFFF  }
0xc3: {  	_ =	shalt  }
tec
execute0_lowered:
.L_overlay_start_1:
0x0: {  	(tag) =	ssettag $0x1  }
0x1: {  	s1 =	srdreg.scid  }
0x2: {  	s0 =	stileid.u32;
	s9 =	rddreg [dreg:$0x0]  }
0x3: {  	s7 =	rddreg [dreg:$0x1];
	s4 =	simm.s32 $0x0;
	s15 =	simm.s32 $0x400  }
0x4: {  	s16 =	simm.s32 $0xE300;
	s17 =	simm.s32 $0x1;
	s18 =	simm.s32 $0xE580  }
0x5: {  	s2 =	sand.u32 $0x1, s1;
	s28 =	sshll.u32 s0, $0x1;
	s6 =	sshrl.u32 s0, $0x2  }
0x6: {  	s1 =	rddreg [dreg:$0x2];
	s14 =	sor.u32 s2, s28;
	s29 =	smul.u32 $0x1400, s6  }
0x7: {  	s19 =	simm.s32 $0xE800;
	[smem:$0x7FF] =	sst s4;
	s3 =	smul.u32 $0x1950, s14  }
0x8: {  	_ =	strace $0x80000047;
	s2 =	ssub.s32 $0x2, s2;
	s5 =	smul.u32 $0x140, s14  }
0x9: {  	s30 =	sshll.u32 s14, $0x7;
	s31 =	sshrl.u32 s2, $0x1;
	s8 =	smul.u32 $0x50, s14  }
0xa: {  	p0 =	seq.s32 s14, $0x1F;
	s14 =	simm.s32 $0x80;
	s6 =	sand.u32 $0x380, s30  }
0xb: {  	s13 =	ssub.s32 s2, s31;
	s3 =	sadd.s32 s3, s9;
	s5 =	sadd.s32 s5, s9  }
0xc: {  	s4 =	sor.u32 s29, s6;
	s6 =	sadd.s32 $0x324B0, s9;
	s13 =	smax.u32 s13, $0x1  }
0xd: {  	s4 =	sshrl.u32 s4, $0x3;
	s2 =	sadd.s32 $0x1400, s3;
	s3 =	sadd.s32 s7, s8  }
0xe: {  	s7 =	sadd.s32 $0x9B0, s7;
	s8 =	sadd.s32 $0x352C0, s9;
	s12 =	sadd.s32 s4, s9  }
0xf: {  	s4 =	sadd.s32 $0x32C00, s5;
	s5 =	sadd.s32 $0x35400, s5;
	s9 =	sadd.s32 $0x37AC0, s9  }
0x10: {  	v0 =	vimm.f32 $1.000000000e+00;
	v1 =	vimm.f32 $0.0e+00;
	s10 =	sadd.s32 $0x37C00, s12;
	s11 =	sadd.s32 $0x38600, s12;
	s12 =	sadd.s32 $0x39000, s12  }
.LBB2_1:
0x11: {  	s20 =	simm.s32 @p0 $0x0;
	s21 =	simm.s32 @p0 $0x1  }
0x12: {  	[tilespmem:s20], [sflag:$0x1] =	stream.linear.gather @p0 [hbm4b:s6+s20], $0x32A0, $0x38;
	[tilespmem:$0xEA80] =	vst v63  }
0x13: {  	_ =	swait.ge @p0 [sflag:s21], $0x32A0  }
0x14: {  	[sflag:s21] =	ssyncset.done @p0 $0x0  }
0x15: {  	s22 =	simm.s32 @p0 $0xCB00;
	[sflag:s21] =	ssyncadd.s32 @p0 $0xFFFFCD60  }
0x16: {  	[tilespmem:s22], [sflag:$0x1] =	stream.linear.gather @p0 [hbm4b:s7+s20], $0xA0, $0x38;
	[tilespmem:$0xEA80] =	vst v63  }
0x17: {  	_ =	swait.ge @p0 [sflag:s21], $0xA0  }
0x18: {  	[sflag:s21] =	ssyncset.done @p0 $0x0  }
0x19: {  	s22 =	simm.s32 @p0 $0xCE00;
	[sflag:s21] =	ssyncadd.s32 @p0 $0xFFFFFF60  }
0x1a: {  	[tilespmem:s22], [sflag:$0x1] =	stream.linear.gather @p0 [hbm4b:s8+s20], $0x280, $0x38;
	[tilespmem:$0xEA80] =	vst v63  }
0x1b: {  	_ =	swait.ge @p0 [sflag:s21], $0x280  }
0x1c: {  	[sflag:s21] =	ssyncset.done @p0 $0x0  }
0x1d: {  	s22 =	simm.s32 @p0 $0xD880;
	[sflag:s21] =	ssyncadd.s32 @p0 $0xFFFFFD80  }
0x1e: {  	[tilespmem:s22], [sflag:$0x1] =	stream.linear.gather @p0 [hbm4b:s9+s20], $0x280, $0x38;
	[tilespmem:$0xEA80] =	vst v63  }
0x1f: {  	_ =	swait.ge @p0 [sflag:s21], $0x280  }
0x20: {  	[sflag:s21] =	ssyncset.done @p0 $0x0  }
0x21: {  	s20 =	simm.s32 @!p0 $0x0;
	[sflag:s21] =	ssyncadd.s32 @p0 $0xFFFFFD80;
	s21 =	simm.s32 @!p0 $0x1  }
0x22: {  	[tilespmem:s20], [sflag:$0x1] =	stream.linear.gather @!p0 [hbm4b:s2+s20], $0xCA80, $0x38;
	[tilespmem:$0xEA80] =	vst v63  }
0x23: {  	_ =	swait.ge @!p0 [sflag:s21], $0xCA80  }
0x24: {  	[sflag:s21] =	ssyncset.done @!p0 $0x0  }
0x25: {  	s22 =	simm.s32 @!p0 $0xCB00;
	[sflag:s21] =	ssyncadd.s32 @!p0 $0xFFFF3580  }
0x26: {  	[tilespmem:s22], [sflag:$0x1] =	stream.linear.gather @!p0 [hbm4b:s3+s20], $0x280, $0x38;
	[tilespmem:$0xEA80] =	vst v63  }
0x27: {  	_ =	swait.ge @!p0 [sflag:s21], $0x280  }
0x28: {  	[sflag:s21] =	ssyncset.done @!p0 $0x0  }
0x29: {  	s22 =	simm.s32 @!p0 $0xCE00;
	[sflag:s21] =	ssyncadd.s32 @!p0 $0xFFFFFD80  }
0x2a: {  	[tilespmem:s22], [sflag:$0x1] =	stream.linear.gather @!p0 [hbm4b:s4+s20], $0xA00, $0x38;
	[tilespmem:$0xEA80] =	vst v63  }
0x2b: {  	_ =	swait.ge @!p0 [sflag:s21], $0xA00  }
0x2c: {  	[sflag:s21] =	ssyncset.done @!p0 $0x0  }
0x2d: {  	s22 =	simm.s32 @!p0 $0xD880;
	[sflag:s21] =	ssyncadd.s32 @!p0 $0xFFFFF600  }
0x2e: {  	[tilespmem:s22], [sflag:$0x1] =	stream.linear.gather @!p0 [hbm4b:s5+s20], $0xA00, $0x38;
	[tilespmem:$0xEA80] =	vst v63  }
0x2f: {  	_ =	swait.ge @!p0 [sflag:s21], $0xA00  }
0x30: {  	[sflag:s21] =	ssyncset.done @!p0 $0x0  }
0x31: {  	[sflag:s21] =	ssyncadd.s32 @!p0 $0xFFFFF600  }
0x32: {  	[tilespmem:$0xE300] =	vst v0  }
0x33: {  	[tilespmem:$0xE580] =	vst v1  }
0x34: {  	[tilespmem:$0xE800] =	vst v1  }
0x35: {  	[tilespmem:$0xE310] =	vst v0  }
0x36: {  	[tilespmem:$0xE590] =	vst v1  }
0x37: {  	[tilespmem:$0xE810] =	vst v1  }
0x38: {  	[tilespmem:$0xE320] =	vst v0  }
0x39: {  	[tilespmem:$0xE5A0] =	vst v1  }
0x3a: {  	[tilespmem:$0xE820] =	vst v1  }
0x3b: {  	[tilespmem:$0xE330] =	vst v0  }
0x3c: {  	[tilespmem:$0xE5B0] =	vst v1  }
0x3d: {  	[tilespmem:$0xE830] =	vst v1  }
0x3e: {  	[tilespmem:$0xE340] =	vst v0  }
0x3f: {  	[tilespmem:$0xE5C0] =	vst v1  }
0x40: {  	[tilespmem:$0xE840] =	vst v1  }
0x41: {  	[tilespmem:$0xE350] =	vst v0  }
0x42: {  	[tilespmem:$0xE5D0] =	vst v1  }
0x43: {  	[tilespmem:$0xE850] =	vst v1  }
0x44: {  	[tilespmem:$0xE360] =	vst v0  }
0x45: {  	[tilespmem:$0xE5E0] =	vst v1  }
0x46: {  	[tilespmem:$0xE860] =	vst v1  }
0x47: {  	[tilespmem:$0xE370] =	vst v0  }
0x48: {  	[tilespmem:$0xE5F0] =	vst v1  }
0x49: {  	[tilespmem:$0xE870] =	vst v1  }
0x4a: {  	[tilespmem:$0xE380] =	vst v0  }
0x4b: {  	[tilespmem:$0xE600] =	vst v1  }
0x4c: {  	[tilespmem:$0xE880] =	vst v1  }
0x4d: {  	[tilespmem:$0xE390] =	vst v0  }
0x4e: {  	[tilespmem:$0xE610] =	vst v1  }
0x4f: {  	[tilespmem:$0xE890] =	vst v1  }
0x50: {  	[tilespmem:$0xE3A0] =	vst v0  }
0x51: {  	[tilespmem:$0xE620] =	vst v1  }
0x52: {  	[tilespmem:$0xE8A0] =	vst v1  }
0x53: {  	[tilespmem:$0xE3B0] =	vst v0  }
0x54: {  	[tilespmem:$0xE630] =	vst v1  }
0x55: {  	[tilespmem:$0xE8B0] =	vst v1  }
0x56: {  	[tilespmem:$0xE3C0] =	vst v0  }
0x57: {  	[tilespmem:$0xE640] =	vst v1  }
0x58: {  	[tilespmem:$0xE8C0] =	vst v1  }
0x59: {  	[tilespmem:$0xE3D0] =	vst v0  }
0x5a: {  	[tilespmem:$0xE650] =	vst v1  }
0x5b: {  	[tilespmem:$0xE8D0] =	vst v1  }
0x5c: {  	[tilespmem:$0xE3E0] =	vst v0  }
0x5d: {  	[tilespmem:$0xE660] =	vst v1  }
0x5e: {  	[tilespmem:$0xE8E0] =	vst v1  }
0x5f: {  	[tilespmem:$0xE3F0] =	vst v0  }
0x60: {  	[tilespmem:$0xE670] =	vst v1  }
0x61: {  	[tilespmem:$0xE8F0] =	vst v1  }
0x62: {  	[tilespmem:$0xE400] =	vst v0  }
0x63: {  	[tilespmem:$0xE680] =	vst v1  }
0x64: {  	[tilespmem:$0xE900] =	vst v1  }
0x65: {  	[tilespmem:$0xE410] =	vst v0  }
0x66: {  	[tilespmem:$0xE690] =	vst v1  }
0x67: {  	[tilespmem:$0xE910] =	vst v1  }
0x68: {  	[tilespmem:$0xE420] =	vst v0  }
0x69: {  	[tilespmem:$0xE6A0] =	vst v1  }
0x6a: {  	[tilespmem:$0xE920] =	vst v1  }
0x6b: {  	[tilespmem:$0xE430] =	vst v0  }
0x6c: {  	[tilespmem:$0xE6B0] =	vst v1  }
0x6d: {  	[tilespmem:$0xE930] =	vst v1  }
0x6e: {  	[tilespmem:$0xE440] =	vst v0  }
0x6f: {  	[tilespmem:$0xE6C0] =	vst v1  }
0x70: {  	[tilespmem:$0xE940] =	vst v1  }
0x71: {  	[tilespmem:$0xE450] =	vst v0  }
0x72: {  	[tilespmem:$0xE6D0] =	vst v1  }
0x73: {  	[tilespmem:$0xE950] =	vst v1  }
0x74: {  	[tilespmem:$0xE460] =	vst v0  }
0x75: {  	[tilespmem:$0xE6E0] =	vst v1  }
0x76: {  	[tilespmem:$0xE960] =	vst v1  }
0x77: {  	[tilespmem:$0xE470] =	vst v0  }
0x78: {  	[tilespmem:$0xE6F0] =	vst v1  }
0x79: {  	[tilespmem:$0xE970] =	vst v1  }
0x7a: {  	[tilespmem:$0xE480] =	vst v0  }
0x7b: {  	[tilespmem:$0xE700] =	vst v1  }
0x7c: {  	[tilespmem:$0xE980] =	vst v1  }
0x7d: {  	[tilespmem:$0xE490] =	vst v0  }
0x7e: {  	[tilespmem:$0xE710] =	vst v1  }
0x7f: {  	[tilespmem:$0xE990] =	vst v1  }
0x80: {  	[tilespmem:$0xE4A0] =	vst v0  }
0x81: {  	[tilespmem:$0xE720] =	vst v1  }
0x82: {  	[tilespmem:$0xE9A0] =	vst v1  }
0x83: {  	[tilespmem:$0xE4B0] =	vst v0  }
0x84: {  	[tilespmem:$0xE730] =	vst v1  }
0x85: {  	[tilespmem:$0xE9B0] =	vst v1  }
0x86: {  	[tilespmem:$0xE4C0] =	vst v0  }
0x87: {  	[tilespmem:$0xE740] =	vst v1  }
0x88: {  	[tilespmem:$0xE9C0] =	vst v1  }
0x89: {  	[tilespmem:$0xE4D0] =	vst v0  }
0x8a: {  	[tilespmem:$0xE750] =	vst v1  }
0x8b: {  	[tilespmem:$0xE9D0] =	vst v1  }
0x8c: {  	[tilespmem:$0xE4E0] =	vst v0  }
0x8d: {  	[tilespmem:$0xE760] =	vst v1  }
0x8e: {  	[tilespmem:$0xE9E0] =	vst v1  }
0x8f: {  	[tilespmem:$0xE4F0] =	vst v0  }
0x90: {  	[tilespmem:$0xE770] =	vst v1  }
0x91: {  	[tilespmem:$0xE9F0] =	vst v1  }
0x92: {  	[tilespmem:$0xE500] =	vst v0  }
0x93: {  	[tilespmem:$0xE780] =	vst v1  }
0x94: {  	[tilespmem:$0xEA00] =	vst v1  }
0x95: {  	[tilespmem:$0xE510] =	vst v0  }
0x96: {  	[tilespmem:$0xE790] =	vst v1  }
0x97: {  	[tilespmem:$0xEA10] =	vst v1  }
0x98: {  	[tilespmem:$0xE520] =	vst v0  }
0x99: {  	[tilespmem:$0xE7A0] =	vst v1  }
0x9a: {  	[tilespmem:$0xEA20] =	vst v1  }
0x9b: {  	[tilespmem:$0xE530] =	vst v0  }
0x9c: {  	[tilespmem:$0xE7B0] =	vst v1  }
0x9d: {  	[tilespmem:$0xEA30] =	vst v1  }
0x9e: {  	[tilespmem:$0xE540] =	vst v0  }
0x9f: {  	[tilespmem:$0xE7C0] =	vst v1  }
0xa0: {  	[tilespmem:$0xEA40] =	vst v1  }
0xa1: {  	[tilespmem:$0xE550] =	vst v0  }
0xa2: {  	[tilespmem:$0xE7D0] =	vst v1  }
0xa3: {  	[tilespmem:$0xEA50] =	vst v1  }
0xa4: {  	[tilespmem:$0xE560] =	vst v0  }
0xa5: {  	[tilespmem:$0xE7E0] =	vst v1  }
0xa6: {  	[tilespmem:$0xEA60] =	vst v1  }
0xa7: {  	[tilespmem:$0xE570] =	vst v0  }
0xa8: {  	[tilespmem:$0xE7F0] =	vst v1  }
0xa9: {  	[tilespmem:$0xEA70] =	vst v1  }
0xaa: {  	[hbm4b:s10+s14] =	stream.strided.scatter [tilespmem:s16], [sflag:$0x1], $0x280, s15, s14, $0x38;
	[tilespmem:$0xEA80] =	vst v63  }
0xab: {  	_ =	swait.ge [sflag:s17], $0x280  }
0xac: {  	[sflag:s17] =	ssyncset.done $0x0  }
0xad: {  	[sflag:s17] =	ssyncadd.s32 $0xFFFFFD80  }
0xae: {  	[hbm4b:s11+s14] =	stream.strided.scatter [tilespmem:s18], [sflag:$0x1], $0x280, s15, s14, $0x38;
	[tilespmem:$0xEA80] =	vst v63  }
0xaf: {  	s13 =	sadd.s32 $0xFFFFFFFF, s13;
	_ =	swait.ge [sflag:s17], $0x280  }
0xb0: {  	p1 =	sne.s32 s13, $0x0;
	[sflag:s17] =	ssyncset.done $0x0  }
.Ltmp0:
0xb1: {  	[sflag:s17] =	ssyncadd.s32 $0xFFFFFD80;
	(pc) =	sbr.rel @p1 .LBB2_1-.Ltmp0, $4  }
0xb2: {  	[hbm4b:s12+s14] =	stream.strided.scatter [tilespmem:s19], [sflag:$0x1], $0x280, s15, s14, $0x38;
	[tilespmem:$0xEA80] =	vst v63  }
0xb3: {  	_ =	swait.ge [sflag:s17], $0x280  }
0xb4: {  	[sflag:s17] =	ssyncset.done $0x0  }
0xb5: {  	[sflag:s17] =	ssyncadd.s32 $0xFFFFFD80  }
0xb6: {  	_ =	sfence.sel $0x180000  }
0xb7: {  	[bflag:$0x0] =	sbarrier.arrive $0xFFFF  }
0xb8: {  	p0 =	sne.s32 s0, $0x0;
	_ =	strace $0x90000047  }
0xb9: {  	s0 =	sadd.s32 @!p0 $0x100000, s1;
	[bflag:$0x2] =	sbarrier.arrive $0xFFFF  }
0xba: {  	[sflag:s0] =	ssyncadd.tile.s32 @!p0 $0x1;
	_ =	shalt  }
.Lfunc_end2:
_tile_overlayer_lowered:
.L_overlay_start_2:
0xbb: {  	(tag) =	ssettag $0x2  }
0xbc: {  	s0 =	rddreg [dreg:$0x0];
	s2 =	stileid.u32  }
0xbd: {  	s1 =	rddreg [dreg:$0x1];
	p0 =	sne.s32 s2, $0x0  }
0xbe: {  	s3 =	rddreg [dreg:$0x2];
	[bflag:$0x3] =	sbarrier.arrive $0xFFFF;
	s2 =	simm.s32 @!p0 $0x1C01  }
0xbf: {  	[timem:s3], [sflag:s2] =	dma.local @!p0 [hbm:s0], s1  }
0xc0: {  	s0 =	simm.s32 @!p0 $0x1  }
0xc1: {  	_ =	swait.ge @!p0 [sflag:s0], s1  }
0xc2: {  	s1 =	ssub.s32 @!p0 $0x0, s1;
	[sflag:s0] =	ssyncset.done @!p0 $0x0  }
0xc3: {  	[sflag:s0] =	ssyncadd.s32 @!p0 s1  }
0xc4: {  	[bflag:$0x3] =	sbarrier.arrive $0xFFFF  }
0xc5: {  	_ =	shalt  }

</sc_bundles>
